<compile_context>
chip_gen: v7x
topology: tpu7x:2x2x1
jax: 0.10.2.dev20260603
libtpu: 0.0.44.dev20260713+nightly
codegen_flags: <defaults>
</compile_context>

<pallas_src>
import functools

import jax
import jax.numpy as jnp
from jax import lax
from jax.experimental import pallas as pl
from jax.experimental.pallas import tpu as pltpu
from jax.experimental.pallas import tpu_sc as plsc


def kernel(input, indices):
    V, D = input.shape
    B = indices.shape[0]

    info = plsc.get_sparse_core_info()
    NC, NS, L = 1, info.num_subcores, info.num_lanes
    NW = NC * NS
    assert B % NW == 0
    b_per_w = B // NW
    assert b_per_w <= L

    mesh = plsc.VectorSubcoreMesh(core_axis_name="c", subcore_axis_name="s", num_cores=1)

    @functools.partial(
        pl.kernel,
        mesh=mesh,
        out_type=jax.ShapeDtypeStruct((B, D), jnp.float32),
        scratch_types=[
            pltpu.VMEM((L,), jnp.int32),
            pltpu.VMEM((b_per_w, D), jnp.float32),
            pltpu.SemaphoreType.DMA,
            pltpu.SemaphoreType.DMA,
        ],
        compiler_params=pltpu.CompilerParams(needs_layout_passes=False),
    )
    def gather_kernel(table_hbm, idx_hbm, out_hbm, idx_v, rows_v, sem_i, sem_r):
        wid = lax.axis_index("s") * NC + lax.axis_index("c")
        base = wid * b_per_w
        pltpu.async_copy(
            idx_hbm.at[pl.ds(base, b_per_w)], idx_v.at[pl.ds(0, b_per_w)], sem_i
        ).wait()
        idx_vec = idx_v[...]
        lane = lax.iota(jnp.int32, L)
        copies = []
        for j in range(b_per_w):
            idx_j = jnp.sum(jnp.where(lane == j, idx_vec, 0))
            copies.append(
                pltpu.async_copy(
                    table_hbm.at[pl.ds(idx_j, 1), :],
                    rows_v.at[pl.ds(j, 1), :],
                    sem_r,
                )
            )
        for cp in copies:
            cp.wait()
        pltpu.sync_copy(rows_v, out_hbm.at[pl.ds(base, b_per_w)])

    return gather_kernel(input, indices)

# --- scband reference (transcript-rebuilt; emitter-appended) ---
"""Pipeline reference for scband-tindexing-82076825026725 (READ-ONLY COPY).

The authoritative reference and input builder live on the scoring server;
editing this copy changes nothing except your own understanding.
"""

import jax, jax.numpy as jnp
import numpy as np

VOCAB = 100000
EMBED_DIM = 64
NUM_IDX = 256
STRIDE = 391

def setup_inputs(seed: int = 0) -> dict:
    key = jax.random.key(seed)
    inp = jax.random.normal(key, (VOCAB, EMBED_DIM), dtype=jnp.float32)
    indices = (jnp.arange(NUM_IDX, dtype=jnp.int32) * STRIDE).astype(jnp.int32)
    return {"input": inp, "indices": indices}

def reference(input, indices):
    # Faithful translation of: output = input[self.indices]
    output = jnp.take(input, indices, axis=0)
    return output

if __name__ == "__main__":
    import jax
    _d = setup_inputs()
    print(jax.jit(kernel)(*tuple(_d.values())))

</pallas_src>

<mosaic_0001>
#map = affine_map<(d0, d1) -> (0, 0)>
#map1 = affine_map<(d0, d1) -> (0)>
module attributes {stable_mosaic.version = 14 : i64} {
  func.func @gather_kernel(%arg0: i32, %arg1: i32, %arg2: memref<100000x64xf32, #tpu.memory_space<hbm>>, %arg3: memref<256xi32, #tpu.memory_space<hbm>>, %arg4: memref<256x64xf32, #tpu.memory_space<hbm>>, %arg5: memref<16xi32, #tpu.memory_space<vmem>>, %arg6: memref<16x64xf32, #tpu.memory_space<vmem>>, %arg7: memref<!tpu.dma_semaphore, #tpu.memory_space<semaphore_mem>>, %arg8: memref<!tpu.dma_semaphore, #tpu.memory_space<semaphore_mem>>) attributes {dimension_semantics = [#tpu.dimension_semantics<core_parallel>, #tpu.dimension_semantics<subcore_parallel>], iteration_bounds = array<i64: 1, 16>, scalar_prefetch = 0 : i64, scratch_operands = 4 : i64, tpu.core_type = #tpu.core_type<sc_vector_subcore>, window_params = [{transform_indices = #map}, {transform_indices = #map1}, {transform_indices = #map}]} {
    %mul3A = arith.constant 1 : i32
    %mul3A_0 = arith.muli %arg1, %mul3A : i32
    %add3A = arith.addi %mul3A_0, %arg0 : i32
    %mul3A_1 = arith.constant 16 : i32
    %mul3A_2 = arith.muli %add3A, %mul3A_1 : i32
    %dma_start3A = arith.constant 0 : i32
    %dma_start3A_3 = tpu.memref_slice %arg5[%dma_start3A] : memref<16xi32, #tpu.memory_space<vmem>> -> memref<16xi32, #tpu.memory_space<vmem>>
    %dma_start3A_4 = tpu.memref_slice %arg3[%mul3A_2] : memref<256xi32, #tpu.memory_space<hbm>> -> memref<16xi32, #tpu.memory_space<hbm>>
    %dma_start3A_5 = arith.constant 0 : i32
    %dma_start3A_6 = tpu.memref_slice %arg5[%dma_start3A_5] : memref<16xi32, #tpu.memory_space<vmem>> -> memref<16xi32, #tpu.memory_space<vmem>>
    %dma_start3A_7 = tpu.memref_slice %arg3[%mul3A_2] : memref<256xi32, #tpu.memory_space<hbm>> -> memref<16xi32, #tpu.memory_space<hbm>>
    tpu.enqueue_dma source(%dma_start3A_7 : memref<16xi32, #tpu.memory_space<hbm>>) target(%dma_start3A_6 : memref<16xi32, #tpu.memory_space<vmem>>) target_semaphore(%arg7 : memref<!tpu.dma_semaphore, #tpu.memory_space<semaphore_mem>>)
    %dma_wait3A = arith.constant 0 : i32
    %dma_wait3A_8 = tpu.memref_slice %arg5[%dma_wait3A] : memref<16xi32, #tpu.memory_space<vmem>> -> memref<16xi32, #tpu.memory_space<vmem>>
    %dma_wait3A_9 = tpu.memref_slice %arg3[%mul3A_2] : memref<256xi32, #tpu.memory_space<hbm>> -> memref<16xi32, #tpu.memory_space<hbm>>
    %dma_wait3A_10 = arith.constant 0 : i32
    %dma_wait3A_11 = tpu.memref_slice %arg5[%dma_wait3A_10] : memref<16xi32, #tpu.memory_space<vmem>> -> memref<16xi32, #tpu.memory_space<vmem>>
    %dma_wait3A_12 = tpu.memref_slice %arg3[%mul3A_2] : memref<256xi32, #tpu.memory_space<hbm>> -> memref<16xi32, #tpu.memory_space<hbm>>
    tpu.wait_dma2 semaphore(%arg7 : memref<!tpu.dma_semaphore, #tpu.memory_space<semaphore_mem>>) src(%dma_wait3A_12 : memref<16xi32, #tpu.memory_space<hbm>>) dst(%dma_wait3A_11 : memref<16xi32, #tpu.memory_space<vmem>>)
    %get3A = arith.constant 0 : index
    %get3A_13 = tpu.vector_load %arg5[%get3A] {strides = array<i32>} : memref<16xi32, #tpu.memory_space<vmem>>, vector<16xi32>,
    %iota3A = tpu.iota {dimensions = array<i32: 0>} : vector<16xi32>
    %eq3A = arith.constant 0 : i32
    %eq3A_14 = vector.broadcast %eq3A : i32 to vector<16xi32>
    %eq3A_15 = arith.cmpi eq, %iota3A, %eq3A_14 : vector<16xi32>
    %jit3A = arith.constant 0 : i32
    %broadcast_in_dim3A = vector.broadcast %jit3A : i32 to vector<16xi32>
    %select_n3A = arith.select %eq3A_15, %get3A_13, %broadcast_in_dim3A : vector<16xi1>, vector<16xi32>
    %reduce_sum3A = arith.constant true
    %reduce_sum3A_16 = vector.broadcast %reduce_sum3A : i1 to vector<16xi1>
    %reduce_sum3A_17 = tpu.scan <sum>, %select_n3A masked %reduce_sum3A_16 : vector<16xi32>, vector<16xi1> -> vector<16xi32>
    %reduce_sum3A_18 = vector.extract %reduce_sum3A_17[15] : i32 from vector<16xi32>
    %dma_start3A_19 = arith.constant 0 : i32
    %dma_start3A_20 = arith.constant 0 : i32
    %dma_start3A_21 = tpu.memref_slice %arg6[%dma_start3A_19, %dma_start3A_20] : memref<16x64xf32, #tpu.memory_space<vmem>> -> memref<1x64xf32, #tpu.memory_space<vmem>>
    %dma_start3A_22 = arith.constant 0 : i32
    %dma_start3A_23 = tpu.memref_slice %arg2[%reduce_sum3A_18, %dma_start3A_22] : memref<100000x64xf32, #tpu.memory_space<hbm>> -> memref<1x64xf32, #tpu.memory_space<hbm>>
    %dma_start3A_24 = arith.constant 0 : i32
    %dma_start3A_25 = arith.constant 0 : i32
    %dma_start3A_26 = tpu.memref_slice %arg6[%dma_start3A_24, %dma_start3A_25] : memref<16x64xf32, #tpu.memory_space<vmem>> -> memref<1x64xf32, #tpu.memory_space<vmem>>
    %dma_start3A_27 = arith.constant 0 : i32
    %dma_start3A_28 = tpu.memref_slice %arg2[%reduce_sum3A_18, %dma_start3A_27] : memref<100000x64xf32, #tpu.memory_space<hbm>> -> memref<1x64xf32, #tpu.memory_space<hbm>>
    tpu.enqueue_dma source(%dma_start3A_28 : memref<1x64xf32, #tpu.memory_space<hbm>>) target(%dma_start3A_26 : memref<1x64xf32, #tpu.memory_space<vmem>>) target_semaphore(%arg8 : memref<!tpu.dma_semaphore, #tpu.memory_space<semaphore_mem>>)
    %eq3A_29 = arith.constant 1 : i32
    %eq3A_30 = vector.broadcast %eq3A_29 : i32 to vector<16xi32>
    %eq3A_31 = arith.cmpi eq, %iota3A, %eq3A_30 : vector<16xi32>
    %jit3A_32 = arith.constant 0 : i32
    %broadcast_in_dim3A_33 = vector.broadcast %jit3A_32 : i32 to vector<16xi32>
    %select_n3A_34 = arith.select %eq3A_31, %get3A_13, %broadcast_in_dim3A_33 : vector<16xi1>, vector<16xi32>
    %reduce_sum3A_35 = arith.constant true
    %reduce_sum3A_36 = vector.broadcast %reduce_sum3A_35 : i1 to vector<16xi1>
    %reduce_sum3A_37 = tpu.scan <sum>, %select_n3A_34 masked %reduce_sum3A_36 : vector<16xi32>, vector<16xi1> -> vector<16xi32>
    %reduce_sum3A_38 = vector.extract %reduce_sum3A_37[15] : i32 from vector<16xi32>
    %dma_start3A_39 = arith.constant 1 : i32
    %dma_start3A_40 = arith.constant 0 : i32
    %dma_start3A_41 = tpu.memref_slice %arg6[%dma_start3A_39, %dma_start3A_40] : memref<16x64xf32, #tpu.memory_space<vmem>> -> memref<1x64xf32, #tpu.memory_space<vmem>>
    %dma_start3A_42 = arith.constant 0 : i32
    %dma_start3A_43 = tpu.memref_slice %arg2[%reduce_sum3A_38, %dma_start3A_42] : memref<100000x64xf32, #tpu.memory_space<hbm>> -> memref<1x64xf32, #tpu.memory_space<hbm>>
    %dma_start3A_44 = arith.constant 1 : i32
    %dma_start3A_45 = arith.constant 0 : i32
    %dma_start3A_46 = tpu.memref_slice %arg6[%dma_start3A_44, %dma_start3A_45] : memref<16x64xf32, #tpu.memory_space<vmem>> -> memref<1x64xf32, #tpu.memory_space<vmem>>
    %dma_start3A_47 = arith.constant 0 : i32
    %dma_start3A_48 = tpu.memref_slice %arg2[%reduce_sum3A_38, %dma_start3A_47] : memref<100000x64xf32, #tpu.memory_space<hbm>> -> memref<1x64xf32, #tpu.memory_space<hbm>>
    tpu.enqueue_dma source(%dma_start3A_48 : memref<1x64xf32, #tpu.memory_space<hbm>>) target(%dma_start3A_46 : memref<1x64xf32, #tpu.memory_space<vmem>>) target_semaphore(%arg8 : memref<!tpu.dma_semaphore, #tpu.memory_space<semaphore_mem>>)
    %eq3A_49 = arith.constant 2 : i32
    %eq3A_50 = vector.broadcast %eq3A_49 : i32 to vector<16xi32>
    %eq3A_51 = arith.cmpi eq, %iota3A, %eq3A_50 : vector<16xi32>
    %jit3A_52 = arith.constant 0 : i32
    %broadcast_in_dim3A_53 = vector.broadcast %jit3A_52 : i32 to vector<16xi32>
    %select_n3A_54 = arith.select %eq3A_51, %get3A_13, %broadcast_in_dim3A_53 : vector<16xi1>, vector<16xi32>
    %reduce_sum3A_55 = arith.constant true
    %reduce_sum3A_56 = vector.broadcast %reduce_sum3A_55 : i1 to vector<16xi1>
    %reduce_sum3A_57 = tpu.scan <sum>, %select_n3A_54 masked %reduce_sum3A_56 : vector<16xi32>, vector<16xi1> -> vector<16xi32>
    %reduce_sum3A_58 = vector.extract %reduce_sum3A_57[15] : i32 from vector<16xi32>
    %dma_start3A_59 = arith.constant 2 : i32
    %dma_start3A_60 = arith.constant 0 : i32
    %dma_start3A_61 = tpu.memref_slice %arg6[%dma_start3A_59, %dma_start3A_60] : memref<16x64xf32, #tpu.memory_space<vmem>> -> memref<1x64xf32, #tpu.memory_space<vmem>>
    %dma_start3A_62 = arith.constant 0 : i32
    %dma_start3A_63 = tpu.memref_slice %arg2[%reduce_sum3A_58, %dma_start3A_62] : memref<100000x64xf32, #tpu.memory_space<hbm>> -> memref<1x64xf32, #tpu.memory_space<hbm>>
    %dma_start3A_64 = arith.constant 2 : i32
    %dma_start3A_65 = arith.constant 0 : i32
    %dma_start3A_66 = tpu.memref_slice %arg6[%dma_start3A_64, %dma_start3A_65] : memref<16x64xf32, #tpu.memory_space<vmem>> -> memref<1x64xf32, #tpu.memory_space<vmem>>
    %dma_start3A_67 = arith.constant 0 : i32
    %dma_start3A_68 = tpu.memref_slice %arg2[%reduce_sum3A_58, %dma_start3A_67] : memref<100000x64xf32, #tpu.memory_space<hbm>> -> memref<1x64xf32, #tpu.memory_space<hbm>>
    tpu.enqueue_dma source(%dma_start3A_68 : memref<1x64xf32, #tpu.memory_space<hbm>>) target(%dma_start3A_66 : memref<1x64xf32, #tpu.memory_space<vmem>>) target_semaphore(%arg8 : memref<!tpu.dma_semaphore, #tpu.memory_space<semaphore_mem>>)
    %eq3A_69 = arith.constant 3 : i32
    %eq3A_70 = vector.broadcast %eq3A_69 : i32 to vector<16xi32>
    %eq3A_71 = arith.cmpi eq, %iota3A, %eq3A_70 : vector<16xi32>
    %jit3A_72 = arith.constant 0 : i32
    %broadcast_in_dim3A_73 = vector.broadcast %jit3A_72 : i32 to vector<16xi32>
    %select_n3A_74 = arith.select %eq3A_71, %get3A_13, %broadcast_in_dim3A_73 : vector<16xi1>, vector<16xi32>
    %reduce_sum3A_75 = arith.constant true
    %reduce_sum3A_76 = vector.broadcast %reduce_sum3A_75 : i1 to vector<16xi1>
    %reduce_sum3A_77 = tpu.scan <sum>, %select_n3A_74 masked %reduce_sum3A_76 : vector<16xi32>, vector<16xi1> -> vector<16xi32>
    %reduce_sum3A_78 = vector.extract %reduce_sum3A_77[15] : i32 from vector<16xi32>
    %dma_start3A_79 = arith.constant 3 : i32
    %dma_start3A_80 = arith.constant 0 : i32
    %dma_start3A_81 = tpu.memref_slice %arg6[%dma_start3A_79, %dma_start3A_80] : memref<16x64xf32, #tpu.memory_space<vmem>> -> memref<1x64xf32, #tpu.memory_space<vmem>>
    %dma_start3A_82 = arith.constant 0 : i32
    %dma_start3A_83 = tpu.memref_slice %arg2[%reduce_sum3A_78, %dma_start3A_82] : memref<100000x64xf32, #tpu.memory_space<hbm>> -> memref<1x64xf32, #tpu.memory_space<hbm>>
    %dma_start3A_84 = arith.constant 3 : i32
    %dma_start3A_85 = arith.constant 0 : i32
    %dma_start3A_86 = tpu.memref_slice %arg6[%dma_start3A_84, %dma_start3A_85] : memref<16x64xf32, #tpu.memory_space<vmem>> -> memref<1x64xf32, #tpu.memory_space<vmem>>
    %dma_start3A_87 = arith.constant 0 : i32
    %dma_start3A_88 = tpu.memref_slice %arg2[%reduce_sum3A_78, %dma_start3A_87] : memref<100000x64xf32, #tpu.memory_space<hbm>> -> memref<1x64xf32, #tpu.memory_space<hbm>>
    tpu.enqueue_dma source(%dma_start3A_88 : memref<1x64xf32, #tpu.memory_space<hbm>>) target(%dma_start3A_86 : memref<1x64xf32, #tpu.memory_space<vmem>>) target_semaphore(%arg8 : memref<!tpu.dma_semaphore, #tpu.memory_space<semaphore_mem>>)
    %eq3A_89 = arith.constant 4 : i32
    %eq3A_90 = vector.broadcast %eq3A_89 : i32 to vector<16xi32>
    %eq3A_91 = arith.cmpi eq, %iota3A, %eq3A_90 : vector<16xi32>
    %jit3A_92 = arith.constant 0 : i32
    %broadcast_in_dim3A_93 = vector.broadcast %jit3A_92 : i32 to vector<16xi32>
    %select_n3A_94 = arith.select %eq3A_91, %get3A_13, %broadcast_in_dim3A_93 : vector<16xi1>, vector<16xi32>
    %reduce_sum3A_95 = arith.constant true
    %reduce_sum3A_96 = vector.broadcast %reduce_sum3A_95 : i1 to vector<16xi1>
    %reduce_sum3A_97 = tpu.scan <sum>, %select_n3A_94 masked %reduce_sum3A_96 : vector<16xi32>, vector<16xi1> -> vector<16xi32>
    %reduce_sum3A_98 = vector.extract %reduce_sum3A_97[15] : i32 from vector<16xi32>
    %dma_start3A_99 = arith.constant 4 : i32
    %dma_start3A_100 = arith.constant 0 : i32
    %dma_start3A_101 = tpu.memref_slice %arg6[%dma_start3A_99, %dma_start3A_100] : memref<16x64xf32, #tpu.memory_space<vmem>> -> memref<1x64xf32, #tpu.memory_space<vmem>>
    %dma_start3A_102 = arith.constant 0 : i32
    %dma_start3A_103 = tpu.memref_slice %arg2[%reduce_sum3A_98, %dma_start3A_102] : memref<100000x64xf32, #tpu.memory_space<hbm>> -> memref<1x64xf32, #tpu.memory_space<hbm>>
    %dma_start3A_104 = arith.constant 4 : i32
    %dma_start3A_105 = arith.constant 0 : i32
    %dma_start3A_106 = tpu.memref_slice %arg6[%dma_start3A_104, %dma_start3A_105] : memref<16x64xf32, #tpu.memory_space<vmem>> -> memref<1x64xf32, #tpu.memory_space<vmem>>
    %dma_start3A_107 = arith.constant 0 : i32
    %dma_start3A_108 = tpu.memref_slice %arg2[%reduce_sum3A_98, %dma_start3A_107] : memref<100000x64xf32, #tpu.memory_space<hbm>> -> memref<1x64xf32, #tpu.memory_space<hbm>>
    tpu.enqueue_dma source(%dma_start3A_108 : memref<1x64xf32, #tpu.memory_space<hbm>>) target(%dma_start3A_106 : memref<1x64xf32, #tpu.memory_space<vmem>>) target_semaphore(%arg8 : memref<!tpu.dma_semaphore, #tpu.memory_space<semaphore_mem>>)
    %eq3A_109 = arith.constant 5 : i32
    %eq3A_110 = vector.broadcast %eq3A_109 : i32 to vector<16xi32>
    %eq3A_111 = arith.cmpi eq, %iota3A, %eq3A_110 : vector<16xi32>
    %jit3A_112 = arith.constant 0 : i32
    %broadcast_in_dim3A_113 = vector.broadcast %jit3A_112 : i32 to vector<16xi32>
    %select_n3A_114 = arith.select %eq3A_111, %get3A_13, %broadcast_in_dim3A_113 : vector<16xi1>, vector<16xi32>
    %reduce_sum3A_115 = arith.constant true
    %reduce_sum3A_116 = vector.broadcast %reduce_sum3A_115 : i1 to vector<16xi1>
    %reduce_sum3A_117 = tpu.scan <sum>, %select_n3A_114 masked %reduce_sum3A_116 : vector<16xi32>, vector<16xi1> -> vector<16xi32>
    %reduce_sum3A_118 = vector.extract %reduce_sum3A_117[15] : i32 from vector<16xi32>
    %dma_start3A_119 = arith.constant 5 : i32
    %dma_start3A_120 = arith.constant 0 : i32
    %dma_start3A_121 = tpu.memref_slice %arg6[%dma_start3A_119, %dma_start3A_120] : memref<16x64xf32, #tpu.memory_space<vmem>> -> memref<1x64xf32, #tpu.memory_space<vmem>>
    %dma_start3A_122 = arith.constant 0 : i32
    %dma_start3A_123 = tpu.memref_slice %arg2[%reduce_sum3A_118, %dma_start3A_122] : memref<100000x64xf32, #tpu.memory_space<hbm>> -> memref<1x64xf32, #tpu.memory_space<hbm>>
    %dma_start3A_124 = arith.constant 5 : i32
    %dma_start3A_125 = arith.constant 0 : i32
    %dma_start3A_126 = tpu.memref_slice %arg6[%dma_start3A_124, %dma_start3A_125] : memref<16x64xf32, #tpu.memory_space<vmem>> -> memref<1x64xf32, #tpu.memory_space<vmem>>
    %dma_start3A_127 = arith.constant 0 : i32
    %dma_start3A_128 = tpu.memref_slice %arg2[%reduce_sum3A_118, %dma_start3A_127] : memref<100000x64xf32, #tpu.memory_space<hbm>> -> memref<1x64xf32, #tpu.memory_space<hbm>>
    tpu.enqueue_dma source(%dma_start3A_128 : memref<1x64xf32, #tpu.memory_space<hbm>>) target(%dma_start3A_126 : memref<1x64xf32, #tpu.memory_space<vmem>>) target_semaphore(%arg8 : memref<!tpu.dma_semaphore, #tpu.memory_space<semaphore_mem>>)
    %eq3A_129 = arith.constant 6 : i32
    %eq3A_130 = vector.broadcast %eq3A_129 : i32 to vector<16xi32>
    %eq3A_131 = arith.cmpi eq, %iota3A, %eq3A_130 : vector<16xi32>
    %jit3A_132 = arith.constant 0 : i32
    %broadcast_in_dim3A_133 = vector.broadcast %jit3A_132 : i32 to vector<16xi32>
    %select_n3A_134 = arith.select %eq3A_131, %get3A_13, %broadcast_in_dim3A_133 : vector<16xi1>, vector<16xi32>
    %reduce_sum3A_135 = arith.constant true
    %reduce_sum3A_136 = vector.broadcast %reduce_sum3A_135 : i1 to vector<16xi1>
    %reduce_sum3A_137 = tpu.scan <sum>, %select_n3A_134 masked %reduce_sum3A_136 : vector<16xi32>, vector<16xi1> -> vector<16xi32>
    %reduce_sum3A_138 = vector.extract %reduce_sum3A_137[15] : i32 from vector<16xi32>
    %dma_start3A_139 = arith.constant 6 : i32
    %dma_start3A_140 = arith.constant 0 : i32
    %dma_start3A_141 = tpu.memref_slice %arg6[%dma_start3A_139, %dma_start3A_140] : memref<16x64xf32, #tpu.memory_space<vmem>> -> memref<1x64xf32, #tpu.memory_space<vmem>>
    %dma_start3A_142 = arith.constant 0 : i32
    %dma_start3A_143 = tpu.memref_slice %arg2[%reduce_sum3A_138, %dma_start3A_142] : memref<100000x64xf32, #tpu.memory_space<hbm>> -> memref<1x64xf32, #tpu.memory_space<hbm>>
    %dma_start3A_144 = arith.constant 6 : i32
    %dma_start3A_145 = arith.constant 0 : i32
    %dma_start3A_146 = tpu.memref_slice %arg6[%dma_start3A_144, %dma_start3A_145] : memref<16x64xf32, #tpu.memory_space<vmem>> -> memref<1x64xf32, #tpu.memory_space<vmem>>
    %dma_start3A_147 = arith.constant 0 : i32
    %dma_start3A_148 = tpu.memref_slice %arg2[%reduce_sum3A_138, %dma_start3A_147] : memref<100000x64xf32, #tpu.memory_space<hbm>> -> memref<1x64xf32, #tpu.memory_space<hbm>>
    tpu.enqueue_dma source(%dma_start3A_148 : memref<1x64xf32, #tpu.memory_space<hbm>>) target(%dma_start3A_146 : memref<1x64xf32, #tpu.memory_space<vmem>>) target_semaphore(%arg8 : memref<!tpu.dma_semaphore, #tpu.memory_space<semaphore_mem>>)
    %eq3A_149 = arith.constant 7 : i32
    %eq3A_150 = vector.broadcast %eq3A_149 : i32 to vector<16xi32>
    %eq3A_151 = arith.cmpi eq, %iota3A, %eq3A_150 : vector<16xi32>
    %jit3A_152 = arith.constant 0 : i32
    %broadcast_in_dim3A_153 = vector.broadcast %jit3A_152 : i32 to vector<16xi32>
    %select_n3A_154 = arith.select %eq3A_151, %get3A_13, %broadcast_in_dim3A_153 : vector<16xi1>, vector<16xi32>
    %reduce_sum3A_155 = arith.constant true
    %reduce_sum3A_156 = vector.broadcast %reduce_sum3A_155 : i1 to vector<16xi1>
    %reduce_sum3A_157 = tpu.scan <sum>, %select_n3A_154 masked %reduce_sum3A_156 : vector<16xi32>, vector<16xi1> -> vector<16xi32>
    %reduce_sum3A_158 = vector.extract %reduce_sum3A_157[15] : i32 from vector<16xi32>
    %dma_start3A_159 = arith.constant 7 : i32
    %dma_start3A_160 = arith.constant 0 : i32
    %dma_start3A_161 = tpu.memref_slice %arg6[%dma_start3A_159, %dma_start3A_160] : memref<16x64xf32, #tpu.memory_space<vmem>> -> memref<1x64xf32, #tpu.memory_space<vmem>>
    %dma_start3A_162 = arith.constant 0 : i32
    %dma_start3A_163 = tpu.memref_slice %arg2[%reduce_sum3A_158, %dma_start3A_162] : memref<100000x64xf32, #tpu.memory_space<hbm>> -> memref<1x64xf32, #tpu.memory_space<hbm>>
    %dma_start3A_164 = arith.constant 7 : i32
    %dma_start3A_165 = arith.constant 0 : i32
    %dma_start3A_166 = tpu.memref_slice %arg6[%dma_start3A_164, %dma_start3A_165] : memref<16x64xf32, #tpu.memory_space<vmem>> -> memref<1x64xf32, #tpu.memory_space<vmem>>
    %dma_start3A_167 = arith.constant 0 : i32
    %dma_start3A_168 = tpu.memref_slice %arg2[%reduce_sum3A_158, %dma_start3A_167] : memref<100000x64xf32, #tpu.memory_space<hbm>> -> memref<1x64xf32, #tpu.memory_space<hbm>>
    tpu.enqueue_dma source(%dma_start3A_168 : memref<1x64xf32, #tpu.memory_space<hbm>>) target(%dma_start3A_166 : memref<1x64xf32, #tpu.memory_space<vmem>>) target_semaphore(%arg8 : memref<!tpu.dma_semaphore, #tpu.memory_space<semaphore_mem>>)
    %eq3A_169 = arith.constant 8 : i32
    %eq3A_170 = vector.broadcast %eq3A_169 : i32 to vector<16xi32>
    %eq3A_171 = arith.cmpi eq, %iota3A, %eq3A_170 : vector<16xi32>
    %jit3A_172 = arith.constant 0 : i32
    %broadcast_in_dim3A_173 = vector.broadcast %jit3A_172 : i32 to vector<16xi32>
    %select_n3A_174 = arith.select %eq3A_171, %get3A_13, %broadcast_in_dim3A_173 : vector<16xi1>, vector<16xi32>
    %reduce_sum3A_175 = arith.constant true
    %reduce_sum3A_176 = vector.broadcast %reduce_sum3A_175 : i1 to vector<16xi1>
    %reduce_sum3A_177 = tpu.scan <sum>, %select_n3A_174 masked %reduce_sum3A_176 : vector<16xi32>, vector<16xi1> -> vector<16xi32>
    %reduce_sum3A_178 = vector.extract %reduce_sum3A_177[15] : i32 from vector<16xi32>
    %dma_start3A_179 = arith.constant 8 : i32
    %dma_start3A_180 = arith.constant 0 : i32
    %dma_start3A_181 = tpu.memref_slice %arg6[%dma_start3A_179, %dma_start3A_180] : memref<16x64xf32, #tpu.memory_space<vmem>> -> memref<1x64xf32, #tpu.memory_space<vmem>>
    %dma_start3A_182 = arith.constant 0 : i32
    %dma_start3A_183 = tpu.memref_slice %arg2[%reduce_sum3A_178, %dma_start3A_182] : memref<100000x64xf32, #tpu.memory_space<hbm>> -> memref<1x64xf32, #tpu.memory_space<hbm>>
    %dma_start3A_184 = arith.constant 8 : i32
    %dma_start3A_185 = arith.constant 0 : i32
    %dma_start3A_186 = tpu.memref_slice %arg6[%dma_start3A_184, %dma_start3A_185] : memref<16x64xf32, #tpu.memory_space<vmem>> -> memref<1x64xf32, #tpu.memory_space<vmem>>
    %dma_start3A_187 = arith.constant 0 : i32
    %dma_start3A_188 = tpu.memref_slice %arg2[%reduce_sum3A_178, %dma_start3A_187] : memref<100000x64xf32, #tpu.memory_space<hbm>> -> memref<1x64xf32, #tpu.memory_space<hbm>>
    tpu.enqueue_dma source(%dma_start3A_188 : memref<1x64xf32, #tpu.memory_space<hbm>>) target(%dma_start3A_186 : memref<1x64xf32, #tpu.memory_space<vmem>>) target_semaphore(%arg8 : memref<!tpu.dma_semaphore, #tpu.memory_space<semaphore_mem>>)
    %eq3A_189 = arith.constant 9 : i32
    %eq3A_190 = vector.broadcast %eq3A_189 : i32 to vector<16xi32>
    %eq3A_191 = arith.cmpi eq, %iota3A, %eq3A_190 : vector<16xi32>
    %jit3A_192 = arith.constant 0 : i32
    %broadcast_in_dim3A_193 = vector.broadcast %jit3A_192 : i32 to vector<16xi32>
    %select_n3A_194 = arith.select %eq3A_191, %get3A_13, %broadcast_in_dim3A_193 : vector<16xi1>, vector<16xi32>
    %reduce_sum3A_195 = arith.constant true
    %reduce_sum3A_196 = vector.broadcast %reduce_sum3A_195 : i1 to vector<16xi1>
    %reduce_sum3A_197 = tpu.scan <sum>, %select_n3A_194 masked %reduce_sum3A_196 : vector<16xi32>, vector<16xi1> -> vector<16xi32>
    %reduce_sum3A_198 = vector.extract %reduce_sum3A_197[15] : i32 from vector<16xi32>
    %dma_start3A_199 = arith.constant 9 : i32
    %dma_start3A_200 = arith.constant 0 : i32
    %dma_start3A_201 = tpu.memref_slice %arg6[%dma_start3A_199, %dma_start3A_200] : memref<16x64xf32, #tpu.memory_space<vmem>> -> memref<1x64xf32, #tpu.memory_space<vmem>>
    %dma_start3A_202 = arith.constant 0 : i32
    %dma_start3A_203 = tpu.memref_slice %arg2[%reduce_sum3A_198, %dma_start3A_202] : memref<100000x64xf32, #tpu.memory_space<hbm>> -> memref<1x64xf32, #tpu.memory_space<hbm>>
    %dma_start3A_204 = arith.constant 9 : i32
    %dma_start3A_205 = arith.constant 0 : i32
    %dma_start3A_206 = tpu.memref_slice %arg6[%dma_start3A_204, %dma_start3A_205] : memref<16x64xf32, #tpu.memory_space<vmem>> -> memref<1x64xf32, #tpu.memory_space<vmem>>
    %dma_start3A_207 = arith.constant 0 : i32
    %dma_start3A_208 = tpu.memref_slice %arg2[%reduce_sum3A_198, %dma_start3A_207] : memref<100000x64xf32, #tpu.memory_space<hbm>> -> memref<1x64xf32, #tpu.memory_space<hbm>>
    tpu.enqueue_dma source(%dma_start3A_208 : memref<1x64xf32, #tpu.memory_space<hbm>>) target(%dma_start3A_206 : memref<1x64xf32, #tpu.memory_space<vmem>>) target_semaphore(%arg8 : memref<!tpu.dma_semaphore, #tpu.memory_space<semaphore_mem>>)
    %eq3A_209 = arith.constant 10 : i32
    %eq3A_210 = vector.broadcast %eq3A_209 : i32 to vector<16xi32>
    %eq3A_211 = arith.cmpi eq, %iota3A, %eq3A_210 : vector<16xi32>
    %jit3A_212 = arith.constant 0 : i32
    %broadcast_in_dim3A_213 = vector.broadcast %jit3A_212 : i32 to vector<16xi32>
    %select_n3A_214 = arith.select %eq3A_211, %get3A_13, %broadcast_in_dim3A_213 : vector<16xi1>, vector<16xi32>
    %reduce_sum3A_215 = arith.constant true
    %reduce_sum3A_216 = vector.broadcast %reduce_sum3A_215 : i1 to vector<16xi1>
    %reduce_sum3A_217 = tpu.scan <sum>, %select_n3A_214 masked %reduce_sum3A_216 : vector<16xi32>, vector<16xi1> -> vector<16xi32>
    %reduce_sum3A_218 = vector.extract %reduce_sum3A_217[15] : i32 from vector<16xi32>
    %dma_start3A_219 = arith.constant 10 : i32
    %dma_start3A_220 = arith.constant 0 : i32
    %dma_start3A_221 = tpu.memref_slice %arg6[%dma_start3A_219, %dma_start3A_220] : memref<16x64xf32, #tpu.memory_space<vmem>> -> memref<1x64xf32, #tpu.memory_space<vmem>>
    %dma_start3A_222 = arith.constant 0 : i32
    %dma_start3A_223 = tpu.memref_slice %arg2[%reduce_sum3A_218, %dma_start3A_222] : memref<100000x64xf32, #tpu.memory_space<hbm>> -> memref<1x64xf32, #tpu.memory_space<hbm>>
    %dma_start3A_224 = arith.constant 10 : i32
    %dma_start3A_225 = arith.constant 0 : i32
    %dma_start3A_226 = tpu.memref_slice %arg6[%dma_start3A_224, %dma_start3A_225] : memref<16x64xf32, #tpu.memory_space<vmem>> -> memref<1x64xf32, #tpu.memory_space<vmem>>
    %dma_start3A_227 = arith.constant 0 : i32
    %dma_start3A_228 = tpu.memref_slice %arg2[%reduce_sum3A_218, %dma_start3A_227] : memref<100000x64xf32, #tpu.memory_space<hbm>> -> memref<1x64xf32, #tpu.memory_space<hbm>>
    tpu.enqueue_dma source(%dma_start3A_228 : memref<1x64xf32, #tpu.memory_space<hbm>>) target(%dma_start3A_226 : memref<1x64xf32, #tpu.memory_space<vmem>>) target_semaphore(%arg8 : memref<!tpu.dma_semaphore, #tpu.memory_space<semaphore_mem>>)
    %eq3A_229 = arith.constant 11 : i32
    %eq3A_230 = vector.broadcast %eq3A_229 : i32 to vector<16xi32>
    %eq3A_231 = arith.cmpi eq, %iota3A, %eq3A_230 : vector<16xi32>
    %jit3A_232 = arith.constant 0 : i32
    %broadcast_in_dim3A_233 = vector.broadcast %jit3A_232 : i32 to vector<16xi32>
    %select_n3A_234 = arith.select %eq3A_231, %get3A_13, %broadcast_in_dim3A_233 : vector<16xi1>, vector<16xi32>
    %reduce_sum3A_235 = arith.constant true
    %reduce_sum3A_236 = vector.broadcast %reduce_sum3A_235 : i1 to vector<16xi1>
    %reduce_sum3A_237 = tpu.scan <sum>, %select_n3A_234 masked %reduce_sum3A_236 : vector<16xi32>, vector<16xi1> -> vector<16xi32>
    %reduce_sum3A_238 = vector.extract %reduce_sum3A_237[15] : i32 from vector<16xi32>
    %dma_start3A_239 = arith.constant 11 : i32
    %dma_start3A_240 = arith.constant 0 : i32
    %dma_start3A_241 = tpu.memref_slice %arg6[%dma_start3A_239, %dma_start3A_240] : memref<16x64xf32, #tpu.memory_space<vmem>> -> memref<1x64xf32, #tpu.memory_space<vmem>>
    %dma_start3A_242 = arith.constant 0 : i32
    %dma_start3A_243 = tpu.memref_slice %arg2[%reduce_sum3A_238, %dma_start3A_242] : memref<100000x64xf32, #tpu.memory_space<hbm>> -> memref<1x64xf32, #tpu.memory_space<hbm>>
    %dma_start3A_244 = arith.constant 11 : i32
    %dma_start3A_245 = arith.constant 0 : i32
    %dma_start3A_246 = tpu.memref_slice %arg6[%dma_start3A_244, %dma_start3A_245] : memref<16x64xf32, #tpu.memory_space<vmem>> -> memref<1x64xf32, #tpu.memory_space<vmem>>
    %dma_start3A_247 = arith.constant 0 : i32
    %dma_start3A_248 = tpu.memref_slice %arg2[%reduce_sum3A_238, %dma_start3A_247] : memref<100000x64xf32, #tpu.memory_space<hbm>> -> memref<1x64xf32, #tpu.memory_space<hbm>>
    tpu.enqueue_dma source(%dma_start3A_248 : memref<1x64xf32, #tpu.memory_space<hbm>>) target(%dma_start3A_246 : memref<1x64xf32, #tpu.memory_space<vmem>>) target_semaphore(%arg8 : memref<!tpu.dma_semaphore, #tpu.memory_space<semaphore_mem>>)
    %eq3A_249 = arith.constant 12 : i32
    %eq3A_250 = vector.broadcast %eq3A_249 : i32 to vector<16xi32>
    %eq3A_251 = arith.cmpi eq, %iota3A, %eq3A_250 : vector<16xi32>
    %jit3A_252 = arith.constant 0 : i32
    %broadcast_in_dim3A_253 = vector.broadcast %jit3A_252 : i32 to vector<16xi32>
    %select_n3A_254 = arith.select %eq3A_251, %get3A_13, %broadcast_in_dim3A_253 : vector<16xi1>, vector<16xi32>
    %reduce_sum3A_255 = arith.constant true
    %reduce_sum3A_256 = vector.broadcast %reduce_sum3A_255 : i1 to vector<16xi1>
    %reduce_sum3A_257 = tpu.scan <sum>, %select_n3A_254 masked %reduce_sum3A_256 : vector<16xi32>, vector<16xi1> -> vector<16xi32>
    %reduce_sum3A_258 = vector.extract %reduce_sum3A_257[15] : i32 from vector<16xi32>
    %dma_start3A_259 = arith.constant 12 : i32
    %dma_start3A_260 = arith.constant 0 : i32
    %dma_start3A_261 = tpu.memref_slice %arg6[%dma_start3A_259, %dma_start3A_260] : memref<16x64xf32, #tpu.memory_space<vmem>> -> memref<1x64xf32, #tpu.memory_space<vmem>>
    %dma_start3A_262 = arith.constant 0 : i32
    %dma_start3A_263 = tpu.memref_slice %arg2[%reduce_sum3A_258, %dma_start3A_262] : memref<100000x64xf32, #tpu.memory_space<hbm>> -> memref<1x64xf32, #tpu.memory_space<hbm>>
    %dma_start3A_264 = arith.constant 12 : i32
    %dma_start3A_265 = arith.constant 0 : i32
    %dma_start3A_266 = tpu.memref_slice %arg6[%dma_start3A_264, %dma_start3A_265] : memref<16x64xf32, #tpu.memory_space<vmem>> -> memref<1x64xf32, #tpu.memory_space<vmem>>
    %dma_start3A_267 = arith.constant 0 : i32
    %dma_start3A_268 = tpu.memref_slice %arg2[%reduce_sum3A_258, %dma_start3A_267] : memref<100000x64xf32, #tpu.memory_space<hbm>> -> memref<1x64xf32, #tpu.memory_space<hbm>>
    tpu.enqueue_dma source(%dma_start3A_268 : memref<1x64xf32, #tpu.memory_space<hbm>>) target(%dma_start3A_266 : memref<1x64xf32, #tpu.memory_space<vmem>>) target_semaphore(%arg8 : memref<!tpu.dma_semaphore, #tpu.memory_space<semaphore_mem>>)
    %eq3A_269 = arith.constant 13 : i32
    %eq3A_270 = vector.broadcast %eq3A_269 : i32 to vector<16xi32>
    %eq3A_271 = arith.cmpi eq, %iota3A, %eq3A_270 : vector<16xi32>
    %jit3A_272 = arith.constant 0 : i32
    %broadcast_in_dim3A_273 = vector.broadcast %jit3A_272 : i32 to vector<16xi32>
    %select_n3A_274 = arith.select %eq3A_271, %get3A_13, %broadcast_in_dim3A_273 : vector<16xi1>, vector<16xi32>
    %reduce_sum3A_275 = arith.constant true
    %reduce_sum3A_276 = vector.broadcast %reduce_sum3A_275 : i1 to vector<16xi1>
    %reduce_sum3A_277 = tpu.scan <sum>, %select_n3A_274 masked %reduce_sum3A_276 : vector<16xi32>, vector<16xi1> -> vector<16xi32>
    %reduce_sum3A_278 = vector.extract %reduce_sum3A_277[15] : i32 from vector<16xi32>
    %dma_start3A_279 = arith.constant 13 : i32
    %dma_start3A_280 = arith.constant 0 : i32
    %dma_start3A_281 = tpu.memref_slice %arg6[%dma_start3A_279, %dma_start3A_280] : memref<16x64xf32, #tpu.memory_space<vmem>> -> memref<1x64xf32, #tpu.memory_space<vmem>>
    %dma_start3A_282 = arith.constant 0 : i32
    %dma_start3A_283 = tpu.memref_slice %arg2[%reduce_sum3A_278, %dma_start3A_282] : memref<100000x64xf32, #tpu.memory_space<hbm>> -> memref<1x64xf32, #tpu.memory_space<hbm>>
    %dma_start3A_284 = arith.constant 13 : i32
    %dma_start3A_285 = arith.constant 0 : i32
    %dma_start3A_286 = tpu.memref_slice %arg6[%dma_start3A_284, %dma_start3A_285] : memref<16x64xf32, #tpu.memory_space<vmem>> -> memref<1x64xf32, #tpu.memory_space<vmem>>
    %dma_start3A_287 = arith.constant 0 : i32
    %dma_start3A_288 = tpu.memref_slice %arg2[%reduce_sum3A_278, %dma_start3A_287] : memref<100000x64xf32, #tpu.memory_space<hbm>> -> memref<1x64xf32, #tpu.memory_space<hbm>>
    tpu.enqueue_dma source(%dma_start3A_288 : memref<1x64xf32, #tpu.memory_space<hbm>>) target(%dma_start3A_286 : memref<1x64xf32, #tpu.memory_space<vmem>>) target_semaphore(%arg8 : memref<!tpu.dma_semaphore, #tpu.memory_space<semaphore_mem>>)
    %eq3A_289 = arith.constant 14 : i32
    %eq3A_290 = vector.broadcast %eq3A_289 : i32 to vector<16xi32>
    %eq3A_291 = arith.cmpi eq, %iota3A, %eq3A_290 : vector<16xi32>
    %jit3A_292 = arith.constant 0 : i32
    %broadcast_in_dim3A_293 = vector.broadcast %jit3A_292 : i32 to vector<16xi32>
    %select_n3A_294 = arith.select %eq3A_291, %get3A_13, %broadcast_in_dim3A_293 : vector<16xi1>, vector<16xi32>
    %reduce_sum3A_295 = arith.constant true
    %reduce_sum3A_296 = vector.broadcast %reduce_sum3A_295 : i1 to vector<16xi1>
    %reduce_sum3A_297 = tpu.scan <sum>, %select_n3A_294 masked %reduce_sum3A_296 : vector<16xi32>, vector<16xi1> -> vector<16xi32>
    %reduce_sum3A_298 = vector.extract %reduce_sum3A_297[15] : i32 from vector<16xi32>
    %dma_start3A_299 = arith.constant 14 : i32
    %dma_start3A_300 = arith.constant 0 : i32
    %dma_start3A_301 = tpu.memref_slice %arg6[%dma_start3A_299, %dma_start3A_300] : memref<16x64xf32, #tpu.memory_space<vmem>> -> memref<1x64xf32, #tpu.memory_space<vmem>>
    %dma_start3A_302 = arith.constant 0 : i32
    %dma_start3A_303 = tpu.memref_slice %arg2[%reduce_sum3A_298, %dma_start3A_302] : memref<100000x64xf32, #tpu.memory_space<hbm>> -> memref<1x64xf32, #tpu.memory_space<hbm>>
    %dma_start3A_304 = arith.constant 14 : i32
    %dma_start3A_305 = arith.constant 0 : i32
    %dma_start3A_306 = tpu.memref_slice %arg6[%dma_start3A_304, %dma_start3A_305] : memref<16x64xf32, #tpu.memory_space<vmem>> -> memref<1x64xf32, #tpu.memory_space<vmem>>
    %dma_start3A_307 = arith.constant 0 : i32
    %dma_start3A_308 = tpu.memref_slice %arg2[%reduce_sum3A_298, %dma_start3A_307] : memref<100000x64xf32, #tpu.memory_space<hbm>> -> memref<1x64xf32, #tpu.memory_space<hbm>>
    tpu.enqueue_dma source(%dma_start3A_308 : memref<1x64xf32, #tpu.memory_space<hbm>>) target(%dma_start3A_306 : memref<1x64xf32, #tpu.memory_space<vmem>>) target_semaphore(%arg8 : memref<!tpu.dma_semaphore, #tpu.memory_space<semaphore_mem>>)
    %eq3A_309 = arith.constant 15 : i32
    %eq3A_310 = vector.broadcast %eq3A_309 : i32 to vector<16xi32>
    %eq3A_311 = arith.cmpi eq, %iota3A, %eq3A_310 : vector<16xi32>
    %jit3A_312 = arith.constant 0 : i32
    %broadcast_in_dim3A_313 = vector.broadcast %jit3A_312 : i32 to vector<16xi32>
    %select_n3A_314 = arith.select %eq3A_311, %get3A_13, %broadcast_in_dim3A_313 : vector<16xi1>, vector<16xi32>
    %reduce_sum3A_315 = arith.constant true
    %reduce_sum3A_316 = vector.broadcast %reduce_sum3A_315 : i1 to vector<16xi1>
    %reduce_sum3A_317 = tpu.scan <sum>, %select_n3A_314 masked %reduce_sum3A_316 : vector<16xi32>, vector<16xi1> -> vector<16xi32>
    %reduce_sum3A_318 = vector.extract %reduce_sum3A_317[15] : i32 from vector<16xi32>
    %dma_start3A_319 = arith.constant 15 : i32
    %dma_start3A_320 = arith.constant 0 : i32
    %dma_start3A_321 = tpu.memref_slice %arg6[%dma_start3A_319, %dma_start3A_320] : memref<16x64xf32, #tpu.memory_space<vmem>> -> memref<1x64xf32, #tpu.memory_space<vmem>>
    %dma_start3A_322 = arith.constant 0 : i32
    %dma_start3A_323 = tpu.memref_slice %arg2[%reduce_sum3A_318, %dma_start3A_322] : memref<100000x64xf32, #tpu.memory_space<hbm>> -> memref<1x64xf32, #tpu.memory_space<hbm>>
    %dma_start3A_324 = arith.constant 15 : i32
    %dma_start3A_325 = arith.constant 0 : i32
    %dma_start3A_326 = tpu.memref_slice %arg6[%dma_start3A_324, %dma_start3A_325] : memref<16x64xf32, #tpu.memory_space<vmem>> -> memref<1x64xf32, #tpu.memory_space<vmem>>
    %dma_start3A_327 = arith.constant 0 : i32
    %dma_start3A_328 = tpu.memref_slice %arg2[%reduce_sum3A_318, %dma_start3A_327] : memref<100000x64xf32, #tpu.memory_space<hbm>> -> memref<1x64xf32, #tpu.memory_space<hbm>>
    tpu.enqueue_dma source(%dma_start3A_328 : memref<1x64xf32, #tpu.memory_space<hbm>>) target(%dma_start3A_326 : memref<1x64xf32, #tpu.memory_space<vmem>>) target_semaphore(%arg8 : memref<!tpu.dma_semaphore, #tpu.memory_space<semaphore_mem>>)
    %dma_wait3A_329 = arith.constant 0 : i32
    %dma_wait3A_330 = arith.constant 0 : i32
    %dma_wait3A_331 = tpu.memref_slice %arg6[%dma_wait3A_329, %dma_wait3A_330] : memref<16x64xf32, #tpu.memory_space<vmem>> -> memref<1x64xf32, #tpu.memory_space<vmem>>
    %dma_wait3A_332 = arith.constant 0 : i32
    %dma_wait3A_333 = tpu.memref_slice %arg2[%reduce_sum3A_18, %dma_wait3A_332] : memref<100000x64xf32, #tpu.memory_space<hbm>> -> memref<1x64xf32, #tpu.memory_space<hbm>>
    %dma_wait3A_334 = arith.constant 0 : i32
    %dma_wait3A_335 = arith.constant 0 : i32
    %dma_wait3A_336 = tpu.memref_slice %arg6[%dma_wait3A_334, %dma_wait3A_335] : memref<16x64xf32, #tpu.memory_space<vmem>> -> memref<1x64xf32, #tpu.memory_space<vmem>>
    %dma_wait3A_337 = arith.constant 0 : i32
    %dma_wait3A_338 = tpu.memref_slice %arg2[%reduce_sum3A_18, %dma_wait3A_337] : memref<100000x64xf32, #tpu.memory_space<hbm>> -> memref<1x64xf32, #tpu.memory_space<hbm>>
    tpu.wait_dma2 semaphore(%arg8 : memref<!tpu.dma_semaphore, #tpu.memory_space<semaphore_mem>>) src(%dma_wait3A_338 : memref<1x64xf32, #tpu.memory_space<hbm>>) dst(%dma_wait3A_336 : memref<1x64xf32, #tpu.memory_space<vmem>>)
    %dma_wait3A_339 = arith.constant 1 : i32
    %dma_wait3A_340 = arith.constant 0 : i32
    %dma_wait3A_341 = tpu.memref_slice %arg6[%dma_wait3A_339, %dma_wait3A_340] : memref<16x64xf32, #tpu.memory_space<vmem>> -> memref<1x64xf32, #tpu.memory_space<vmem>>
    %dma_wait3A_342 = arith.constant 0 : i32
    %dma_wait3A_343 = tpu.memref_slice %arg2[%reduce_sum3A_38, %dma_wait3A_342] : memref<100000x64xf32, #tpu.memory_space<hbm>> -> memref<1x64xf32, #tpu.memory_space<hbm>>
    %dma_wait3A_344 = arith.constant 1 : i32
    %dma_wait3A_345 = arith.constant 0 : i32
    %dma_wait3A_346 = tpu.memref_slice %arg6[%dma_wait3A_344, %dma_wait3A_345] : memref<16x64xf32, #tpu.memory_space<vmem>> -> memref<1x64xf32, #tpu.memory_space<vmem>>
    %dma_wait3A_347 = arith.constant 0 : i32
    %dma_wait3A_348 = tpu.memref_slice %arg2[%reduce_sum3A_38, %dma_wait3A_347] : memref<100000x64xf32, #tpu.memory_space<hbm>> -> memref<1x64xf32, #tpu.memory_space<hbm>>
    tpu.wait_dma2 semaphore(%arg8 : memref<!tpu.dma_semaphore, #tpu.memory_space<semaphore_mem>>) src(%dma_wait3A_348 : memref<1x64xf32, #tpu.memory_space<hbm>>) dst(%dma_wait3A_346 : memref<1x64xf32, #tpu.memory_space<vmem>>)
    %dma_wait3A_349 = arith.constant 2 : i32
    %dma_wait3A_350 = arith.constant 0 : i32
    %dma_wait3A_351 = tpu.memref_slice %arg6[%dma_wait3A_349, %dma_wait3A_350] : memref<16x64xf32, #tpu.memory_space<vmem>> -> memref<1x64xf32, #tpu.memory_space<vmem>>
    %dma_wait3A_352 = arith.constant 0 : i32
    %dma_wait3A_353 = tpu.memref_slice %arg2[%reduce_sum3A_58, %dma_wait3A_352] : memref<100000x64xf32, #tpu.memory_space<hbm>> -> memref<1x64xf32, #tpu.memory_space<hbm>>
    %dma_wait3A_354 = arith.constant 2 : i32
    %dma_wait3A_355 = arith.constant 0 : i32
    %dma_wait3A_356 = tpu.memref_slice %arg6[%dma_wait3A_354, %dma_wait3A_355] : memref<16x64xf32, #tpu.memory_space<vmem>> -> memref<1x64xf32, #tpu.memory_space<vmem>>
    %dma_wait3A_357 = arith.constant 0 : i32
    %dma_wait3A_358 = tpu.memref_slice %arg2[%reduce_sum3A_58, %dma_wait3A_357] : memref<100000x64xf32, #tpu.memory_space<hbm>> -> memref<1x64xf32, #tpu.memory_space<hbm>>
    tpu.wait_dma2 semaphore(%arg8 : memref<!tpu.dma_semaphore, #tpu.memory_space<semaphore_mem>>) src(%dma_wait3A_358 : memref<1x64xf32, #tpu.memory_space<hbm>>) dst(%dma_wait3A_356 : memref<1x64xf32, #tpu.memory_space<vmem>>)
    %dma_wait3A_359 = arith.constant 3 : i32
    %dma_wait3A_360 = arith.constant 0 : i32
    %dma_wait3A_361 = tpu.memref_slice %arg6[%dma_wait3A_359, %dma_wait3A_360] : memref<16x64xf32, #tpu.memory_space<vmem>> -> memref<1x64xf32, #tpu.memory_space<vmem>>
    %dma_wait3A_362 = arith.constant 0 : i32
    %dma_wait3A_363 = tpu.memref_slice %arg2[%reduce_sum3A_78, %dma_wait3A_362] : memref<100000x64xf32, #tpu.memory_space<hbm>> -> memref<1x64xf32, #tpu.memory_space<hbm>>
    %dma_wait3A_364 = arith.constant 3 : i32
    %dma_wait3A_365 = arith.constant 0 : i32
    %dma_wait3A_366 = tpu.memref_slice %arg6[%dma_wait3A_364, %dma_wait3A_365] : memref<16x64xf32, #tpu.memory_space<vmem>> -> memref<1x64xf32, #tpu.memory_space<vmem>>
    %dma_wait3A_367 = arith.constant 0 : i32
    %dma_wait3A_368 = tpu.memref_slice %arg2[%reduce_sum3A_78, %dma_wait3A_367] : memref<100000x64xf32, #tpu.memory_space<hbm>> -> memref<1x64xf32, #tpu.memory_space<hbm>>
    tpu.wait_dma2 semaphore(%arg8 : memref<!tpu.dma_semaphore, #tpu.memory_space<semaphore_mem>>) src(%dma_wait3A_368 : memref<1x64xf32, #tpu.memory_space<hbm>>) dst(%dma_wait3A_366 : memref<1x64xf32, #tpu.memory_space<vmem>>)
    %dma_wait3A_369 = arith.constant 4 : i32
    %dma_wait3A_370 = arith.constant 0 : i32
    %dma_wait3A_371 = tpu.memref_slice %arg6[%dma_wait3A_369, %dma_wait3A_370] : memref<16x64xf32, #tpu.memory_space<vmem>> -> memref<1x64xf32, #tpu.memory_space<vmem>>
    %dma_wait3A_372 = arith.constant 0 : i32
    %dma_wait3A_373 = tpu.memref_slice %arg2[%reduce_sum3A_98, %dma_wait3A_372] : memref<100000x64xf32, #tpu.memory_space<hbm>> -> memref<1x64xf32, #tpu.memory_space<hbm>>
    %dma_wait3A_374 = arith.constant 4 : i32
    %dma_wait3A_375 = arith.constant 0 : i32
    %dma_wait3A_376 = tpu.memref_slice %arg6[%dma_wait3A_374, %dma_wait3A_375] : memref<16x64xf32, #tpu.memory_space<vmem>> -> memref<1x64xf32, #tpu.memory_space<vmem>>
    %dma_wait3A_377 = arith.constant 0 : i32
    %dma_wait3A_378 = tpu.memref_slice %arg2[%reduce_sum3A_98, %dma_wait3A_377] : memref<100000x64xf32, #tpu.memory_space<hbm>> -> memref<1x64xf32, #tpu.memory_space<hbm>>
    tpu.wait_dma2 semaphore(%arg8 : memref<!tpu.dma_semaphore, #tpu.memory_space<semaphore_mem>>) src(%dma_wait3A_378 : memref<1x64xf32, #tpu.memory_space<hbm>>) dst(%dma_wait3A_376 : memref<1x64xf32, #tpu.memory_space<vmem>>)
    %dma_wait3A_379 = arith.constant 5 : i32
    %dma_wait3A_380 = arith.constant 0 : i32
    %dma_wait3A_381 = tpu.memref_slice %arg6[%dma_wait3A_379, %dma_wait3A_380] : memref<16x64xf32, #tpu.memory_space<vmem>> -> memref<1x64xf32, #tpu.memory_space<vmem>>
    %dma_wait3A_382 = arith.constant 0 : i32
    %dma_wait3A_383 = tpu.memref_slice %arg2[%reduce_sum3A_118, %dma_wait3A_382] : memref<100000x64xf32, #tpu.memory_space<hbm>> -> memref<1x64xf32, #tpu.memory_space<hbm>>
    %dma_wait3A_384 = arith.constant 5 : i32
    %dma_wait3A_385 = arith.constant 0 : i32
    %dma_wait3A_386 = tpu.memref_slice %arg6[%dma_wait3A_384, %dma_wait3A_385] : memref<16x64xf32, #tpu.memory_space<vmem>> -> memref<1x64xf32, #tpu.memory_space<vmem>>
    %dma_wait3A_387 = arith.constant 0 : i32
    %dma_wait3A_388 = tpu.memref_slice %arg2[%reduce_sum3A_118, %dma_wait3A_387] : memref<100000x64xf32, #tpu.memory_space<hbm>> -> memref<1x64xf32, #tpu.memory_space<hbm>>
    tpu.wait_dma2 semaphore(%arg8 : memref<!tpu.dma_semaphore, #tpu.memory_space<semaphore_mem>>) src(%dma_wait3A_388 : memref<1x64xf32, #tpu.memory_space<hbm>>) dst(%dma_wait3A_386 : memref<1x64xf32, #tpu.memory_space<vmem>>)
    %dma_wait3A_389 = arith.constant 6 : i32
    %dma_wait3A_390 = arith.constant 0 : i32
    %dma_wait3A_391 = tpu.memref_slice %arg6[%dma_wait3A_389, %dma_wait3A_390] : memref<16x64xf32, #tpu.memory_space<vmem>> -> memref<1x64xf32, #tpu.memory_space<vmem>>
    %dma_wait3A_392 = arith.constant 0 : i32
    %dma_wait3A_393 = tpu.memref_slice %arg2[%reduce_sum3A_138, %dma_wait3A_392] : memref<100000x64xf32, #tpu.memory_space<hbm>> -> memref<1x64xf32, #tpu.memory_space<hbm>>
    %dma_wait3A_394 = arith.constant 6 : i32
    %dma_wait3A_395 = arith.constant 0 : i32
    %dma_wait3A_396 = tpu.memref_slice %arg6[%dma_wait3A_394, %dma_wait3A_395] : memref<16x64xf32, #tpu.memory_space<vmem>> -> memref<1x64xf32, #tpu.memory_space<vmem>>
    %dma_wait3A_397 = arith.constant 0 : i32
    %dma_wait3A_398 = tpu.memref_slice %arg2[%reduce_sum3A_138, %dma_wait3A_397] : memref<100000x64xf32, #tpu.memory_space<hbm>> -> memref<1x64xf32, #tpu.memory_space<hbm>>
    tpu.wait_dma2 semaphore(%arg8 : memref<!tpu.dma_semaphore, #tpu.memory_space<semaphore_mem>>) src(%dma_wait3A_398 : memref<1x64xf32, #tpu.memory_space<hbm>>) dst(%dma_wait3A_396 : memref<1x64xf32, #tpu.memory_space<vmem>>)
    %dma_wait3A_399 = arith.constant 7 : i32
    %dma_wait3A_400 = arith.constant 0 : i32
    %dma_wait3A_401 = tpu.memref_slice %arg6[%dma_wait3A_399, %dma_wait3A_400] : memref<16x64xf32, #tpu.memory_space<vmem>> -> memref<1x64xf32, #tpu.memory_space<vmem>>
    %dma_wait3A_402 = arith.constant 0 : i32
    %dma_wait3A_403 = tpu.memref_slice %arg2[%reduce_sum3A_158, %dma_wait3A_402] : memref<100000x64xf32, #tpu.memory_space<hbm>> -> memref<1x64xf32, #tpu.memory_space<hbm>>
    %dma_wait3A_404 = arith.constant 7 : i32
    %dma_wait3A_405 = arith.constant 0 : i32
    %dma_wait3A_406 = tpu.memref_slice %arg6[%dma_wait3A_404, %dma_wait3A_405] : memref<16x64xf32, #tpu.memory_space<vmem>> -> memref<1x64xf32, #tpu.memory_space<vmem>>
    %dma_wait3A_407 = arith.constant 0 : i32
    %dma_wait3A_408 = tpu.memref_slice %arg2[%reduce_sum3A_158, %dma_wait3A_407] : memref<100000x64xf32, #tpu.memory_space<hbm>> -> memref<1x64xf32, #tpu.memory_space<hbm>>
    tpu.wait_dma2 semaphore(%arg8 : memref<!tpu.dma_semaphore, #tpu.memory_space<semaphore_mem>>) src(%dma_wait3A_408 : memref<1x64xf32, #tpu.memory_space<hbm>>) dst(%dma_wait3A_406 : memref<1x64xf32, #tpu.memory_space<vmem>>)
    %dma_wait3A_409 = arith.constant 8 : i32
    %dma_wait3A_410 = arith.constant 0 : i32
    %dma_wait3A_411 = tpu.memref_slice %arg6[%dma_wait3A_409, %dma_wait3A_410] : memref<16x64xf32, #tpu.memory_space<vmem>> -> memref<1x64xf32, #tpu.memory_space<vmem>>
    %dma_wait3A_412 = arith.constant 0 : i32
    %dma_wait3A_413 = tpu.memref_slice %arg2[%reduce_sum3A_178, %dma_wait3A_412] : memref<100000x64xf32, #tpu.memory_space<hbm>> -> memref<1x64xf32, #tpu.memory_space<hbm>>
    %dma_wait3A_414 = arith.constant 8 : i32
    %dma_wait3A_415 = arith.constant 0 : i32
    %dma_wait3A_416 = tpu.memref_slice %arg6[%dma_wait3A_414, %dma_wait3A_415] : memref<16x64xf32, #tpu.memory_space<vmem>> -> memref<1x64xf32, #tpu.memory_space<vmem>>
    %dma_wait3A_417 = arith.constant 0 : i32
    %dma_wait3A_418 = tpu.memref_slice %arg2[%reduce_sum3A_178, %dma_wait3A_417] : memref<100000x64xf32, #tpu.memory_space<hbm>> -> memref<1x64xf32, #tpu.memory_space<hbm>>
    tpu.wait_dma2 semaphore(%arg8 : memref<!tpu.dma_semaphore, #tpu.memory_space<semaphore_mem>>) src(%dma_wait3A_418 : memref<1x64xf32, #tpu.memory_space<hbm>>) dst(%dma_wait3A_416 : memref<1x64xf32, #tpu.memory_space<vmem>>)
    %dma_wait3A_419 = arith.constant 9 : i32
    %dma_wait3A_420 = arith.constant 0 : i32
    %dma_wait3A_421 = tpu.memref_slice %arg6[%dma_wait3A_419, %dma_wait3A_420] : memref<16x64xf32, #tpu.memory_space<vmem>> -> memref<1x64xf32, #tpu.memory_space<vmem>>
    %dma_wait3A_422 = arith.constant 0 : i32
    %dma_wait3A_423 = tpu.memref_slice %arg2[%reduce_sum3A_198, %dma_wait3A_422] : memref<100000x64xf32, #tpu.memory_space<hbm>> -> memref<1x64xf32, #tpu.memory_space<hbm>>
    %dma_wait3A_424 = arith.constant 9 : i32
    %dma_wait3A_425 = arith.constant 0 : i32
    %dma_wait3A_426 = tpu.memref_slice %arg6[%dma_wait3A_424, %dma_wait3A_425] : memref<16x64xf32, #tpu.memory_space<vmem>> -> memref<1x64xf32, #tpu.memory_space<vmem>>
    %dma_wait3A_427 = arith.constant 0 : i32
    %dma_wait3A_428 = tpu.memref_slice %arg2[%reduce_sum3A_198, %dma_wait3A_427] : memref<100000x64xf32, #tpu.memory_space<hbm>> -> memref<1x64xf32, #tpu.memory_space<hbm>>
    tpu.wait_dma2 semaphore(%arg8 : memref<!tpu.dma_semaphore, #tpu.memory_space<semaphore_mem>>) src(%dma_wait3A_428 : memref<1x64xf32, #tpu.memory_space<hbm>>) dst(%dma_wait3A_426 : memref<1x64xf32, #tpu.memory_space<vmem>>)
    %dma_wait3A_429 = arith.constant 10 : i32
    %dma_wait3A_430 = arith.constant 0 : i32
    %dma_wait3A_431 = tpu.memref_slice %arg6[%dma_wait3A_429, %dma_wait3A_430] : memref<16x64xf32, #tpu.memory_space<vmem>> -> memref<1x64xf32, #tpu.memory_space<vmem>>
    %dma_wait3A_432 = arith.constant 0 : i32
    %dma_wait3A_433 = tpu.memref_slice %arg2[%reduce_sum3A_218, %dma_wait3A_432] : memref<100000x64xf32, #tpu.memory_space<hbm>> -> memref<1x64xf32, #tpu.memory_space<hbm>>
    %dma_wait3A_434 = arith.constant 10 : i32
    %dma_wait3A_435 = arith.constant 0 : i32
    %dma_wait3A_436 = tpu.memref_slice %arg6[%dma_wait3A_434, %dma_wait3A_435] : memref<16x64xf32, #tpu.memory_space<vmem>> -> memref<1x64xf32, #tpu.memory_space<vmem>>
    %dma_wait3A_437 = arith.constant 0 : i32
    %dma_wait3A_438 = tpu.memref_slice %arg2[%reduce_sum3A_218, %dma_wait3A_437] : memref<100000x64xf32, #tpu.memory_space<hbm>> -> memref<1x64xf32, #tpu.memory_space<hbm>>
    tpu.wait_dma2 semaphore(%arg8 : memref<!tpu.dma_semaphore, #tpu.memory_space<semaphore_mem>>) src(%dma_wait3A_438 : memref<1x64xf32, #tpu.memory_space<hbm>>) dst(%dma_wait3A_436 : memref<1x64xf32, #tpu.memory_space<vmem>>)
    %dma_wait3A_439 = arith.constant 11 : i32
    %dma_wait3A_440 = arith.constant 0 : i32
    %dma_wait3A_441 = tpu.memref_slice %arg6[%dma_wait3A_439, %dma_wait3A_440] : memref<16x64xf32, #tpu.memory_space<vmem>> -> memref<1x64xf32, #tpu.memory_space<vmem>>
    %dma_wait3A_442 = arith.constant 0 : i32
    %dma_wait3A_443 = tpu.memref_slice %arg2[%reduce_sum3A_238, %dma_wait3A_442] : memref<100000x64xf32, #tpu.memory_space<hbm>> -> memref<1x64xf32, #tpu.memory_space<hbm>>
    %dma_wait3A_444 = arith.constant 11 : i32
    %dma_wait3A_445 = arith.constant 0 : i32
    %dma_wait3A_446 = tpu.memref_slice %arg6[%dma_wait3A_444, %dma_wait3A_445] : memref<16x64xf32, #tpu.memory_space<vmem>> -> memref<1x64xf32, #tpu.memory_space<vmem>>
    %dma_wait3A_447 = arith.constant 0 : i32
    %dma_wait3A_448 = tpu.memref_slice %arg2[%reduce_sum3A_238, %dma_wait3A_447] : memref<100000x64xf32, #tpu.memory_space<hbm>> -> memref<1x64xf32, #tpu.memory_space<hbm>>
    tpu.wait_dma2 semaphore(%arg8 : memref<!tpu.dma_semaphore, #tpu.memory_space<semaphore_mem>>) src(%dma_wait3A_448 : memref<1x64xf32, #tpu.memory_space<hbm>>) dst(%dma_wait3A_446 : memref<1x64xf32, #tpu.memory_space<vmem>>)
    %dma_wait3A_449 = arith.constant 12 : i32
    %dma_wait3A_450 = arith.constant 0 : i32
    %dma_wait3A_451 = tpu.memref_slice %arg6[%dma_wait3A_449, %dma_wait3A_450] : memref<16x64xf32, #tpu.memory_space<vmem>> -> memref<1x64xf32, #tpu.memory_space<vmem>>
    %dma_wait3A_452 = arith.constant 0 : i32
    %dma_wait3A_453 = tpu.memref_slice %arg2[%reduce_sum3A_258, %dma_wait3A_452] : memref<100000x64xf32, #tpu.memory_space<hbm>> -> memref<1x64xf32, #tpu.memory_space<hbm>>
    %dma_wait3A_454 = arith.constant 12 : i32
    %dma_wait3A_455 = arith.constant 0 : i32
    %dma_wait3A_456 = tpu.memref_slice %arg6[%dma_wait3A_454, %dma_wait3A_455] : memref<16x64xf32, #tpu.memory_space<vmem>> -> memref<1x64xf32, #tpu.memory_space<vmem>>
    %dma_wait3A_457 = arith.constant 0 : i32
    %dma_wait3A_458 = tpu.memref_slice %arg2[%reduce_sum3A_258, %dma_wait3A_457] : memref<100000x64xf32, #tpu.memory_space<hbm>> -> memref<1x64xf32, #tpu.memory_space<hbm>>
    tpu.wait_dma2 semaphore(%arg8 : memref<!tpu.dma_semaphore, #tpu.memory_space<semaphore_mem>>) src(%dma_wait3A_458 : memref<1x64xf32, #tpu.memory_space<hbm>>) dst(%dma_wait3A_456 : memref<1x64xf32, #tpu.memory_space<vmem>>)
    %dma_wait3A_459 = arith.constant 13 : i32
    %dma_wait3A_460 = arith.constant 0 : i32
    %dma_wait3A_461 = tpu.memref_slice %arg6[%dma_wait3A_459, %dma_wait3A_460] : memref<16x64xf32, #tpu.memory_space<vmem>> -> memref<1x64xf32, #tpu.memory_space<vmem>>
    %dma_wait3A_462 = arith.constant 0 : i32
    %dma_wait3A_463 = tpu.memref_slice %arg2[%reduce_sum3A_278, %dma_wait3A_462] : memref<100000x64xf32, #tpu.memory_space<hbm>> -> memref<1x64xf32, #tpu.memory_space<hbm>>
    %dma_wait3A_464 = arith.constant 13 : i32
    %dma_wait3A_465 = arith.constant 0 : i32
    %dma_wait3A_466 = tpu.memref_slice %arg6[%dma_wait3A_464, %dma_wait3A_465] : memref<16x64xf32, #tpu.memory_space<vmem>> -> memref<1x64xf32, #tpu.memory_space<vmem>>
    %dma_wait3A_467 = arith.constant 0 : i32
    %dma_wait3A_468 = tpu.memref_slice %arg2[%reduce_sum3A_278, %dma_wait3A_467] : memref<100000x64xf32, #tpu.memory_space<hbm>> -> memref<1x64xf32, #tpu.memory_space<hbm>>
    tpu.wait_dma2 semaphore(%arg8 : memref<!tpu.dma_semaphore, #tpu.memory_space<semaphore_mem>>) src(%dma_wait3A_468 : memref<1x64xf32, #tpu.memory_space<hbm>>) dst(%dma_wait3A_466 : memref<1x64xf32, #tpu.memory_space<vmem>>)
    %dma_wait3A_469 = arith.constant 14 : i32
    %dma_wait3A_470 = arith.constant 0 : i32
    %dma_wait3A_471 = tpu.memref_slice %arg6[%dma_wait3A_469, %dma_wait3A_470] : memref<16x64xf32, #tpu.memory_space<vmem>> -> memref<1x64xf32, #tpu.memory_space<vmem>>
    %dma_wait3A_472 = arith.constant 0 : i32
    %dma_wait3A_473 = tpu.memref_slice %arg2[%reduce_sum3A_298, %dma_wait3A_472] : memref<100000x64xf32, #tpu.memory_space<hbm>> -> memref<1x64xf32, #tpu.memory_space<hbm>>
    %dma_wait3A_474 = arith.constant 14 : i32
    %dma_wait3A_475 = arith.constant 0 : i32
    %dma_wait3A_476 = tpu.memref_slice %arg6[%dma_wait3A_474, %dma_wait3A_475] : memref<16x64xf32, #tpu.memory_space<vmem>> -> memref<1x64xf32, #tpu.memory_space<vmem>>
    %dma_wait3A_477 = arith.constant 0 : i32
    %dma_wait3A_478 = tpu.memref_slice %arg2[%reduce_sum3A_298, %dma_wait3A_477] : memref<100000x64xf32, #tpu.memory_space<hbm>> -> memref<1x64xf32, #tpu.memory_space<hbm>>
    tpu.wait_dma2 semaphore(%arg8 : memref<!tpu.dma_semaphore, #tpu.memory_space<semaphore_mem>>) src(%dma_wait3A_478 : memref<1x64xf32, #tpu.memory_space<hbm>>) dst(%dma_wait3A_476 : memref<1x64xf32, #tpu.memory_space<vmem>>)
    %dma_wait3A_479 = arith.constant 15 : i32
    %dma_wait3A_480 = arith.constant 0 : i32
    %dma_wait3A_481 = tpu.memref_slice %arg6[%dma_wait3A_479, %dma_wait3A_480] : memref<16x64xf32, #tpu.memory_space<vmem>> -> memref<1x64xf32, #tpu.memory_space<vmem>>
    %dma_wait3A_482 = arith.constant 0 : i32
    %dma_wait3A_483 = tpu.memref_slice %arg2[%reduce_sum3A_318, %dma_wait3A_482] : memref<100000x64xf32, #tpu.memory_space<hbm>> -> memref<1x64xf32, #tpu.memory_space<hbm>>
    %dma_wait3A_484 = arith.constant 15 : i32
    %dma_wait3A_485 = arith.constant 0 : i32
    %dma_wait3A_486 = tpu.memref_slice %arg6[%dma_wait3A_484, %dma_wait3A_485] : memref<16x64xf32, #tpu.memory_space<vmem>> -> memref<1x64xf32, #tpu.memory_space<vmem>>
    %dma_wait3A_487 = arith.constant 0 : i32
    %dma_wait3A_488 = tpu.memref_slice %arg2[%reduce_sum3A_318, %dma_wait3A_487] : memref<100000x64xf32, #tpu.memory_space<hbm>> -> memref<1x64xf32, #tpu.memory_space<hbm>>
    tpu.wait_dma2 semaphore(%arg8 : memref<!tpu.dma_semaphore, #tpu.memory_space<semaphore_mem>>) src(%dma_wait3A_488 : memref<1x64xf32, #tpu.memory_space<hbm>>) dst(%dma_wait3A_486 : memref<1x64xf32, #tpu.memory_space<vmem>>)
    "tpu.region"() ({
      %run_scoped3A = tpu.sem_alloc : memref<!tpu.dma_semaphore, #tpu.memory_space<semaphore_mem>>
      %dma_start3A_489 = arith.constant 0 : i32
      %dma_start3A_490 = tpu.memref_slice %arg4[%mul3A_2, %dma_start3A_489] : memref<256x64xf32, #tpu.memory_space<hbm>> -> memref<16x64xf32, #tpu.memory_space<hbm>>
      %dma_start3A_491 = arith.constant 0 : i32
      %dma_start3A_492 = tpu.memref_slice %arg4[%mul3A_2, %dma_start3A_491] : memref<256x64xf32, #tpu.memory_space<hbm>> -> memref<16x64xf32, #tpu.memory_space<hbm>>
      tpu.enqueue_dma source(%arg6 : memref<16x64xf32, #tpu.memory_space<vmem>>) target(%dma_start3A_492 : memref<16x64xf32, #tpu.memory_space<hbm>>) target_semaphore(%run_scoped3A : memref<!tpu.dma_semaphore, #tpu.memory_space<semaphore_mem>>)
      %dma_wait3A_493 = arith.constant 0 : i32
      %dma_wait3A_494 = tpu.memref_slice %arg4[%mul3A_2, %dma_wait3A_493] : memref<256x64xf32, #tpu.memory_space<hbm>> -> memref<16x64xf32, #tpu.memory_space<hbm>>
      %dma_wait3A_495 = arith.constant 0 : i32
      %dma_wait3A_496 = tpu.memref_slice %arg4[%mul3A_2, %dma_wait3A_495] : memref<256x64xf32, #tpu.memory_space<hbm>> -> memref<16x64xf32, #tpu.memory_space<hbm>>
      tpu.wait_dma2 semaphore(%run_scoped3A : memref<!tpu.dma_semaphore, #tpu.memory_space<semaphore_mem>>) src(%arg6 : memref<16x64xf32, #tpu.memory_space<vmem>>) dst(%dma_wait3A_496 : memref<16x64xf32, #tpu.memory_space<hbm>>)
      tpu.yield
    }) : () -> ()
    return
  }
}

</mosaic_0001>

<sc_bundles>
// kernel: kernel.3.cloned.1.call-start
scs
__scs_entry_jumppad:
0x0: {  	(pc) =	sbr.rel $0x88, $3  }
0x1: {  	(tag) =	ssettag $0x0;
	lr =	simm.s32 $0x1  }
0x2: {  	[smem:$0x3F9F] =	sst lr;
	_ =	strace $0xD0000000  }
0x3: {  	_ = 	snop  }
0x4: {  	_ = 	snop  }
0x5: {  	_ = 	snop  }
0x6: {  	_ = 	snop  }
0x7: {  	_ = 	snop  }
__scs_overlays_trampoline_lowered:
0x8: {  	[smem:$0x3FAE] =	sst s0  }
0x9: {  	[smem:$0x3FAF] =	sst s1  }
0xa: {  	[smem:$0x3FB0] =	sst s2  }
0xb: {  	[smem:$0x3FB1] =	sst s3  }
0xc: {  	[smem:$0x3FB2] =	sst s4  }
0xd: {  	[smem:$0x3FB3] =	sst s5  }
0xe: {  	[smem:$0x3FB4] =	sst s6  }
0xf: {  	[smem:$0x3FB5] =	sst s7  }
0x10: {  	[smem:$0x3FB6] =	sst s8  }
0x11: {  	[smem:$0x3FB7] =	sst s9;
	s0 =	simm.s32 @!p0 $0x0  }
0x12: {  	s1 =	sld [smem:$0x3F9D];
	s0 =	simm.s32 @p0 $0x1  }
0x13: {  	[smem:$0x3FB8] =	sst s0;
	s0 =	simm.s32 @!p1 $0x0  }
0x14: {  	s2 =	sld [smem:$0x3F9C];
	s0 =	simm.s32 @p1 $0x1  }
0x15: {  	[smem:$0x3FB9] =	sst s0;
	s0 =	simm.s32 @!p2 $0x0  }
0x16: {  	s3 =	sld [smem:$0x3FDB];
	s0 =	simm.s32 @p2 $0x1  }
0x17: {  	s4 =	simm.s32 $0x1BF5;
	[smem:$0x3FBB] =	sst s0  }
0x18: {  	s0 =	sld [smem:$0x3F9E];
	_ =	swait.ge [sflag:s4], $0x0  }
0x19: {  	s7 =	sld [smem:$0x3F9F]  }
0x1a: {  	s8 =	sadd.s32 $0xFFFFE003, lr  }
0x1b: {  	s9 =	sadd.s32 $0xFFFFFEF7, lr;
	s5 =	simm.s32 $0xFFFFFFFF;
	p2 =	slt.u32 s8, $0xFFFFF086  }
0x1c: {  	p1 =	slt.u32 s9, $0xF7A;
	s5 =	simm.s32 @!p2 $0x0  }
0x1d: {  	s5 =	simm.s32 @p1 $0x1;
	p0 =	seq.s32 s7, s2  }
0x1e: {  	s7 =	smul.u32 @!p0 $0xF7A, s2;
	p2 =	seq.s32 @!p0 s5, $0x0  }
0x1f: {  	s9 =	smul.u32 $0xF7A, s1;
	s8 =	simm.s32 @!p0 $0x1BF5;
	p2 =	por !p2, p0  }
0x20: {  	[sflag:s8] =	ssyncset.s32 @!p0 $0xFFFFF086;
	s6 =	sadd.s32 @!p0 s3, s7;
	s7 =	simm.s32 @!p0 $0x108  }
0x21: {  	s3 =	sadd.s32 s3, s9;
	s6 =	sadd.s32 @!p0 $0x88, s6;
	s7 =	simm.s32 @p2 $0x1082  }
0x22: {  	[simem:s7], [sflag:s8] =	dma.local @!p0 [hbm:s6], $0xF7A  }
0x23: {  	s9 =	sor.u32 $0xD0000000, s2;
	s6 =	simm.s32 $0x108;
	_ =	swait.ge @!p0 [sflag:s8], $0x0  }
0x24: {  	s3 =	sadd.s32 $0x88, s3;
	s6 =	simm.s32 @!p1 $0x1082;
	[sflag:s4] =	ssyncset.s32 $0xFFFFF086  }
0x25: {  	[simem:s6], [sflag:s4] =	dma.local [hbm:s3], $0xF7A  }
0x26: {  	[smem:$0x3F9F] =	sst s1;
	(tag) =	ssettag s2;
	_ =	strace s9  }
0x27: {  	s1 =	sld [smem:$0x3FAF]  }
0x28: {  	s2 =	sld [smem:$0x3FB0]  }
0x29: {  	s4 =	sld [smem:$0x3FB2]  }
0x2a: {  	p0 =	seq.s32 s5, $0x0;
	s5 =	sld [smem:$0x3FB3]  }
0x2b: {  	s6 =	sld [smem:$0x3FB4]  }
0x2c: {  	s7 =	sld [smem:$0x3FB5]  }
0x2d: {  	s3 =	simm.s32 $0x108;
	s8 =	sld [smem:$0x3FB6]  }
0x2e: {  	s3 =	simm.s32 @!p0 $0x1082;
	s9 =	sld [smem:$0x3FB7]  }
0x2f: {  	lr =	sadd.s32 s0, s3;
	s0 =	sld [smem:$0x3FAE]  }
0x30: {  	s3 =	sld [smem:$0x3FB1]  }
0x31: {  	[smem:$0x3FBA] =	sst s10  }
0x32: {  	s10 =	sld [smem:$0x3FB8];
	_ =	sdelay $0x3  }
0x33: {  	p0 =	seq.s32 s10, $0x1;
	s10 =	sld [smem:$0x3FBA];
	_ =	sdelay $0x3  }
0x34: {  	[smem:$0x3FBA] =	sst s10  }
0x35: {  	s10 =	sld [smem:$0x3FB9];
	_ =	sdelay $0x3  }
0x36: {  	p1 =	seq.s32 s10, $0x1;
	s10 =	sld [smem:$0x3FBA];
	_ =	sdelay $0x3  }
0x37: {  	[smem:$0x3FBA] =	sst s10  }
0x38: {  	s10 =	sld [smem:$0x3FBB]  }
0x39: {  	_ = 	snop;
	(pc) =	sbr.ind lr, $3  }
0x3a: {  	_ = 	snop  }
0x3b: {  	_ = 	snop  }
0x3c: {  	p2 =	seq.s32 s10, $0x1;
	s10 =	sld [smem:$0x3FBA]  }
0x3d: {  	_ =	shalt  }
0x3e: {  	_ =	shalt  }
0x3f: {  	_ =	shalt  }
0x40: {  	_ =	shalt  }
0x41: {  	_ =	shalt  }
0x42: {  	_ =	shalt  }
0x43: {  	_ =	shalt  }
0x44: {  	_ =	shalt  }
0x45: {  	_ =	shalt  }
0x46: {  	_ =	shalt  }
0x47: {  	_ =	shalt  }
0x48: {  	_ =	shalt  }
0x49: {  	_ =	shalt  }
0x4a: {  	_ =	shalt  }
0x4b: {  	_ =	shalt  }
0x4c: {  	_ =	shalt  }
0x4d: {  	_ =	shalt  }
0x4e: {  	_ =	shalt  }
0x4f: {  	_ =	shalt  }
0x50: {  	_ =	shalt  }
0x51: {  	_ =	shalt  }
0x52: {  	_ =	shalt  }
0x53: {  	_ =	shalt  }
0x54: {  	_ =	shalt  }
0x55: {  	_ =	shalt  }
0x56: {  	_ =	shalt  }
0x57: {  	_ =	shalt  }
0x58: {  	_ =	shalt  }
0x59: {  	_ =	shalt  }
0x5a: {  	_ =	shalt  }
0x5b: {  	_ =	shalt  }
0x5c: {  	_ =	shalt  }
0x5d: {  	_ =	shalt  }
0x5e: {  	_ =	shalt  }
0x5f: {  	_ =	shalt  }
0x60: {  	_ =	shalt  }
0x61: {  	_ =	shalt  }
0x62: {  	_ =	shalt  }
0x63: {  	_ =	shalt  }
0x64: {  	_ =	shalt  }
0x65: {  	_ =	shalt  }
0x66: {  	_ =	shalt  }
0x67: {  	_ =	shalt  }
0x68: {  	_ =	shalt  }
0x69: {  	_ =	shalt  }
0x6a: {  	_ =	shalt  }
0x6b: {  	_ =	shalt  }
0x6c: {  	_ =	shalt  }
0x6d: {  	_ =	shalt  }
0x6e: {  	_ =	shalt  }
0x6f: {  	_ =	shalt  }
0x70: {  	_ =	shalt  }
0x71: {  	_ =	shalt  }
0x72: {  	_ =	shalt  }
0x73: {  	_ =	shalt  }
0x74: {  	_ =	shalt  }
0x75: {  	_ =	shalt  }
0x76: {  	_ =	shalt  }
0x77: {  	_ =	shalt  }
0x78: {  	_ =	shalt  }
0x79: {  	_ =	shalt  }
0x7a: {  	_ =	shalt  }
0x7b: {  	_ =	shalt  }
0x7c: {  	_ =	shalt  }
0x7d: {  	_ =	shalt  }
0x7e: {  	_ =	shalt  }
0x7f: {  	_ =	shalt  }
0x80: {  	_ =	shalt  }
0x81: {  	_ =	shalt  }
0x82: {  	_ =	shalt  }
0x83: {  	_ =	shalt  }
0x84: {  	_ =	shalt  }
0x85: {  	_ =	shalt  }
0x86: {  	_ =	shalt  }
0x87: {  	_ =	shalt  }
.Lfunc_end0:
.L_simem_size_0:
called_computation_lowered:
.L_overlay_start_0:
0x88: {  	s0 =	sld [smem:$0x3FD9]  }
0x89: {  	s1 =	sld [smem:$0x3FFE];
	_ =	sdelay $0x3  }
0x8a: {  	s0 =	sadd.s32 s1, s0  }
0x8b: {  	[smem:$0x3FC6] =	sst s0  }
0x8c: {  	_ = 	snop  }
0x8d: {  	s0 =	sld [smem:$0x3FC8];
	(tm) =	ssettm $0x1  }
0x8e: {  	s16 =	sld [smem:$0x3FFB];
	_ =	sdelay $0x3  }
0x8f: {  	_ =	strace s16  }
0x90: {  	s1 =	sld [smem:$0x3FFC];
	_ =	sdelay $0x3  }
0x91: {  	_ =	strace s1  }
0x92: {  	s1 =	sld [smem:$0x3FFD];
	_ =	sdelay $0x3  }
0x93: {  	_ =	strace s1  }
0x94: {  	_ =	strace $0x8FFFFFFF  }
0x95: {  	s17 =	sld [smem:$0x3FDB];
	_ =	sdelay $0x1  }
0x96: {  	s2 =	simm.s32 $_scs_section_size  }
0x97: {  	s3 =	simm.s32 $_size__tile_overlayer_lowered;
	s4 =	simm.s32 $_tile_overlayer_lowered  }
0x98: {  	s20 =	simm.s32 $0x1BFF;
	s19 =	sshll.u32 s4, $0x1;
	s1 =	sadd.s32 s2, s17  }
0x99: {  	s5 =	simm.s32 $0x0;
	s18 =	sshll.u32 s3, $0x1;
	s3 =	sadd.s32 s19, s1  }
0x9a: {  	[timem:s5], [sflag:s20] =	dma.local [hbm:s3], s18  }
0x9b: {  	_ =	swait.ge [sflag:s20], s18  }
0x9c: {  	s2 =	ssub.s32 $0x0, s18;
	[sflag:s20] =	ssyncset.done $0x0  }
0x9d: {  	[sflag:s20] =	ssyncadd.s32 s2;
	_ =	sdelay $0x1  }
0x9e: {  	s21 =	simm.s32 $0x1B8B  }
0x9f: {  	_ =	swait.ge [sflag:s21], $0x1  }
0xa0: {  	[sflag:s21] =	ssyncset.done $0x0  }
0xa1: {  	s23 =	simm.s32 $0x1B8E;
	s22 =	sld [smem:$0x3FFE];
	[sflag:s21] =	ssyncadd.s32 $0xFFFFFFFF  }
0xa2: {  	s24 =	simm.s32 $execute0_lowered;
	[smem:$0x3FD2] =	sst s23  }
0xa3: {  	s3 =	sshll.u32 s24, $0x1;
	_ =	strace $0x80000046;
	[dreg:$0x1] =	wrdreg $0xFFFFFFFF  }
0xa4: {  	s25 =	simm.s32 $_size_execute0_lowered;
	s1 =	sadd.s32 s1, s3;
	[dreg:$0x0] =	wrdreg $0x0  }
0xa5: {  	s3 =	sshll.u32 s25, $0x1;
	[dreg:$0x2] =	wrdreg s1  }
0xa6: {  	[dreg:$0x3] =	wrdreg s3  }
0xa7: {  	[dreg:$0x4] =	wrdreg $0xC0  }
0xa8: {  	_ =	task [dreg:s5], $0x5FFFF  }
0xa9: {  	[dreg:$0x1] =	wrdreg $0xFFFFFFFF  }
0xaa: {  	[dreg:$0x0] =	wrdreg $0x60  }
0xab: {  	[dreg:$0x2] =	wrdreg s22  }
0xac: {  	[dreg:$0x3] =	wrdreg s0  }
0xad: {  	[dreg:$0x4] =	wrdreg $0x9  }
0xae: {  	_ =	task.clear_ibuf [dreg:s5], $0x5FFFF;
	_ =	strace $0x90000046  }
0xaf: {  	s26 =	simm.s32 $0x9;
	_ =	strace $0x80000048  }
0xb0: {  	_ =	swait.ge [sflag:s26], $0x1  }
0xb1: {  	[sflag:s26] =	ssyncadd.s32 $0xFFFFFFFF  }
0xb2: {  	_ =	strace $0x90000048  }
0xb3: {  	_ =	sfence  }
0xb4: {  	s28 =	sld [smem:$0x0];
	_ =	sdelay $0x1  }
0xb5: {  	s29 =	srdreg.scid  }
0xb6: {  	s30 =	sshll.u32 s29, $0xD;
	s31 =	sshrl.u32 s29, $0x2  }
0xb7: {  	s2 =	sand.u32 $0x4000, s30;
	s1 =	sand.u32 $0x1, s29;
	s0 =	sadd.s32 s31, s28  }
0xb8: {  	s1 =	sor.u32 s2, s1;
	s0 =	sshll.u32 s0, $0x11  }
0xb9: {  	s0 =	sor.u32 s0, s1  }
0xba: {  	s0 =	sadd.s32 $0x8F2B, s0  }
0xbb: {  	[sflag:s0] =	ssyncadd.remote.s32 $0x1  }
0xbc: {  	_ =	sfence.sel $0xFFFF  }
0xbd: {  	[dreg:$0x0] =	wrdreg $0xFFFFFFFF;
	(pc) =	sbr.abs _section_cstart, $3  }
0xbe: {  	[dreg:$0x1] =	wrdreg $0xFFFFFFFF  }
0xbf: {  	_ =	task.clear_ibuf [dreg:s5], $0x2FFFF;
	_ =	strace $0x9FFFFFFF  }
0xc0: {  	(tm) =	ssettm $0x7FFFFFFF  }
0xc1: {  	_ =	shalt  }
tec
execute0_lowered:
.L_overlay_start_1:
0x0: {  	(tag) =	ssettag $0x1  }
0x1: {  	s3 =	rddreg [dreg:$0x0]  }
0x2: {  	s4 =	rddreg [dreg:$0x1]  }
0x3: {  	s0 =	rddreg [dreg:$0x2];
	s2 =	simm.s32 $0x0;
	s1 =	stileid.u32  }
0x4: {  	[smem:$0x7FF] =	sst s2;
	s5 =	sshll.u32 s1, $0x1  }
0x5: {  	s20 =	simm.s32 $0x1;
	_ =	strace $0x80000047;
	s4 =	sadd.s32 s4, s5  }
0x6: {  	[tilespmem:s2], [sflag:$0x1] =	stream.linear.gather [hbm4b:s4+s2], $0x10, $0x38;
	[tilespmem:$0x880] =	vst v63  }
0x7: {  	_ =	swait.ge [sflag:s20], $0x10  }
0x8: {  	[sflag:s20] =	ssyncset.done $0x0  }
0x9: {  	[sflag:s20] =	ssyncadd.s32 $0xFFFFFFF0  }
0xa: {  	v0 =	vld [tilespmem:$0x0];
	_ =	sdelay $0x3  }
0xb: {  	vm0 =	vmmov $0x1  }
0xc: {  	v1 =	vnsel vm0, $0x0, v0  }
0xd: {  	(xrf0) =	vadd.scan.msk.s32 $0xffff, v1;
	_ =	sdelay $0x2  }
0xe: {  	vm13 =	vcmask $0x308  }
0xf: {  	v34 =	vsel vm13, $0x0, v0  }
0x10: {  	(xrf0) =	vadd.scan.msk.s32 $0xffff, v34  }
0x11: {  	v35, _, _ =	vpop (xrf0)  }
0x12: {  	vm14 =	vcmask $0x70C;
	(v2sf) =	vpush v35, $0xF  }
0x13: {  	v36 =	vsel vm14, $0x0, v0  }
0x14: {  	(xrf0) =	vadd.scan.msk.s32 $0xffff, v36;
	_ =	sdelay $0x1  }
0x15: {  	v37, _, _ =	vpop (xrf0)  }
0x16: {  	(v2sf) =	vpush v37, $0xF  }
0x17: {  	vm15 =	vcmask $0xB10  }
0x18: {  	v38 =	vsel vm15, $0x0, v0  }
0x19: {  	(xrf0) =	vadd.scan.msk.s32 $0xffff, v38;
	v39, _, _ =	vpop (xrf0)  }
0x1a: {  	(v2sf) =	vpush v39, $0xF;
	_ =	sdelay $0x1  }
0x1b: {  	vm4 =	vcmask $0xF14  }
0x1c: {  	v40 =	vsel vm4, $0x0, v0  }
0x1d: {  	(xrf0) =	vadd.scan.msk.s32 $0xffff, v40  }
0x1e: {  	v41, _, _ =	vpop (xrf0)  }
0x1f: {  	vm5 =	vcmask $0x1318;
	s21 =	spop (v2sf);
	(v2sf) =	vpush v41, $0xF  }
0x20: {  	v42 =	vsel vm5, $0x0, v0  }
0x21: {  	(xrf0) =	vadd.scan.msk.s32 $0xffff, v42;
	_ =	sdelay $0x1  }
0x22: {  	v43, _, _ =	vpop (xrf0)  }
0x23: {  	s22 =	spop (v2sf);
	(v2sf) =	vpush v43, $0xF  }
0x24: {  	vm6 =	vcmask $0x171C  }
0x25: {  	v44 =	vsel vm6, $0x0, v0  }
0x26: {  	(xrf0) =	vadd.scan.msk.s32 $0xffff, v44;
	v45, _, _ =	vpop (xrf0)  }
0x27: {  	s23 =	spop (v2sf);
	(v2sf) =	vpush v45, $0xF;
	_ =	sdelay $0x1  }
0x28: {  	vm7 =	vcmask $0x1B20;
	s4 =	sshll.u32 s21, $0x4  }
0x29: {  	s5 =	sadd.s32 $0x400, s3;
	v46 =	vsel vm7, $0x0, v0;
	s4 =	sand.u32 $0x1FFFFFF0, s4  }
0x2a: {  	(xrf0) =	vadd.scan.msk.s32 $0xffff, v46;
	s6 =	sadd.s32 s5, s4;
	s4 =	simm.s32 $0x80  }
0x2b: {  	v47, _, _ =	vpop (xrf0);
	[tilespmem:s4], [sflag:$0x2] =	stream.linear.gather [hbm4b:s6+s2], $0x80, $0x38;
	[tilespmem:$0x880] =	vst v63  }
0x2c: {  	vm8 =	vcmask $0x1F24;
	s25 =	spop (v2sf);
	(v2sf) =	vpush v47, $0xF  }
0x2d: {  	v48 =	vsel vm8, $0x0, v0;
	s6 =	sshll.u32 s22, $0x4  }
0x2e: {  	(xrf0) =	vadd.scan.msk.s32 $0xffff, v48;
	s6 =	sand.u32 $0x1FFFFFF0, s6  }
0x2f: {  	s7 =	simm.s32 $0x100;
	s6 =	sadd.s32 s5, s6  }
0x30: {  	v49, _, _ =	vpop (xrf0);
	[tilespmem:s7], [sflag:$0x2] =	stream.linear.gather [hbm4b:s6+s2], $0x80, $0x38;
	[tilespmem:$0x880] =	vst v63  }
0x31: {  	vm9 =	vcmask $0x2328;
	s6 =	sshll.u32 s23, $0x4;
	s28 =	spop (v2sf);
	(v2sf) =	vpush v49, $0xF  }
0x32: {  	v50 =	vsel vm9, $0x0, v0;
	s6 =	sand.u32 $0x1FFFFFF0, s6  }
0x33: {  	s24 =	simm.s32 $0x180;
	(xrf0) =	vadd.scan.msk.s32 $0xffff, v50;
	s6 =	sadd.s32 s5, s6  }
0x34: {  	v51, _, _ =	vpop (xrf0);
	[tilespmem:s24], [sflag:$0x2] =	stream.linear.gather [hbm4b:s6+s2], $0x80, $0x38;
	[tilespmem:$0x880] =	vst v63  }
0x35: {  	s30 =	spop (v2sf);
	(v2sf) =	vpush v51, $0xF  }
0x36: {  	vm10 =	vcmask $0x272C;
	s6 =	sshll.u32 s25, $0x4  }
0x37: {  	v52 =	vsel vm10, $0x0, v0;
	s6 =	sand.u32 $0x1FFFFFF0, s6  }
0x38: {  	s26 =	simm.s32 $0x200;
	(xrf0) =	vadd.scan.msk.s32 $0xffff, v52;
	s6 =	sadd.s32 s5, s6  }
0x39: {  	[tilespmem:s26], [sflag:$0x2] =	stream.linear.gather [hbm4b:s6+s2], $0x80, $0x38;
	[tilespmem:$0x880] =	vst v63  }
0x3a: {  	vm11 =	vcmask $0x2B30;
	v53, _, _ =	vpop (xrf0);
	s6 =	sshll.u32 s28, $0x4  }
0x3b: {  	v54 =	vsel vm11, $0x0, v0;
	s6 =	sand.u32 $0x1FFFFFF0, s6;
	s8 =	spop (v2sf);
	(v2sf) =	vpush v53, $0xF  }
0x3c: {  	s29 =	simm.s32 $0x280;
	(xrf0) =	vadd.scan.msk.s32 $0xffff, v54;
	s6 =	sadd.s32 s5, s6  }
0x3d: {  	[tilespmem:s29], [sflag:$0x2] =	stream.linear.gather [hbm4b:s6+s2], $0x80, $0x38;
	[tilespmem:$0x880] =	vst v63  }
0x3e: {  	s6 =	sshll.u32 s30, $0x4  }
0x3f: {  	v55, _, _ =	vpop (xrf0);
	s6 =	sand.u32 $0x1FFFFFF0, s6  }
0x40: {  	s31 =	simm.s32 $0x300;
	s6 =	sadd.s32 s5, s6;
	s10 =	spop (v2sf);
	(v2sf) =	vpush v55, $0xF  }
0x41: {  	vm12 =	vcmask $0x2F34;
	[tilespmem:s31], [sflag:$0x2] =	stream.linear.gather [hbm4b:s6+s2], $0x80, $0x38;
	[tilespmem:$0x880] =	vst v63  }
0x42: {  	v56 =	vsel vm12, $0x0, v0;
	s6 =	sshll.u32 s8, $0x4  }
0x43: {  	(xrf0) =	vadd.scan.msk.s32 $0xffff, v56;
	v57, _, _ =	vpop (xrf0);
	s6 =	sand.u32 $0x1FFFFFF0, s6  }
0x44: {  	s9 =	simm.s32 $0x380;
	s6 =	sadd.s32 s5, s6;
	s12 =	spop (v2sf);
	(v2sf) =	vpush v57, $0xF  }
0x45: {  	[tilespmem:s9], [sflag:$0x2] =	stream.linear.gather [hbm4b:s6+s2], $0x80, $0x38;
	[tilespmem:$0x880] =	vst v63  }
0x46: {  	vm13 =	vcmask $0x3338;
	s6 =	sshll.u32 s10, $0x4  }
0x47: {  	v58 =	vsel vm13, $0x0, v0;
	s6 =	sand.u32 $0x1FFFFFF0, s6  }
0x48: {  	s11 =	simm.s32 $0x400;
	(xrf0) =	vadd.scan.msk.s32 $0xffff, v58;
	s6 =	sadd.s32 s5, s6  }
0x49: {  	v59, _, _ =	vpop (xrf0);
	[tilespmem:s11], [sflag:$0x2] =	stream.linear.gather [hbm4b:s6+s2], $0x80, $0x38;
	[tilespmem:$0x880] =	vst v63  }
0x4a: {  	vm14 =	vcmask $0x373C;
	s14 =	spop (v2sf);
	(v2sf) =	vpush v59, $0xF  }
0x4b: {  	v60 =	vsel vm14, $0x0, v0;
	s6 =	sshll.u32 s12, $0x4  }
0x4c: {  	(xrf0) =	vadd.scan.msk.s32 $0xffff, v60;
	s6 =	sand.u32 $0x1FFFFFF0, s6  }
0x4d: {  	s13 =	simm.s32 $0x480;
	s6 =	sadd.s32 s5, s6  }
0x4e: {  	v61, _, _ =	vpop (xrf0);
	[tilespmem:s13], [sflag:$0x2] =	stream.linear.gather [hbm4b:s6+s2], $0x80, $0x38;
	[tilespmem:$0x880] =	vst v63  }
0x4f: {  	vm15 =	vmmov $0x7fff;
	s6 =	sshll.u32 s14, $0x4;
	s16 =	spop (v2sf);
	(v2sf) =	vpush v61, $0xF  }
0x50: {  	v0 =	vsel vm15, $0x0, v0;
	s6 =	sand.u32 $0x1FFFFFF0, s6  }
0x51: {  	s15 =	simm.s32 $0x500;
	(xrf0) =	vadd.scan.msk.s32 $0xffff, v0;
	s6 =	sadd.s32 s5, s6  }
0x52: {  	v62, _, _ =	vpop (xrf0);
	[tilespmem:s15], [sflag:$0x2] =	stream.linear.gather [hbm4b:s6+s2], $0x80, $0x38;
	[tilespmem:$0x880] =	vst v63  }
0x53: {  	s18 =	spop (v2sf);
	(v2sf) =	vpush v62, $0xF  }
0x54: {  	s6 =	sshll.u32 s16, $0x4  }
0x55: {  	s6 =	sand.u32 $0x1FFFFFF0, s6  }
0x56: {  	s17 =	simm.s32 $0x580;
	s6 =	sadd.s32 s5, s6  }
0x57: {  	[tilespmem:s17], [sflag:$0x2] =	stream.linear.gather [hbm4b:s6+s2], $0x80, $0x38;
	[tilespmem:$0x880] =	vst v63  }
0x58: {  	v63, _, _ =	vpop (xrf0);
	s6 =	sshll.u32 s18, $0x4  }
0x59: {  	s6 =	sand.u32 $0x1FFFFFF0, s6;
	s20 =	spop (v2sf);
	(v2sf) =	vpush v63, $0xF  }
0x5a: {  	s19 =	simm.s32 $0x600;
	s6 =	sadd.s32 s5, s6  }
0x5b: {  	[tilespmem:s19], [sflag:$0x2] =	stream.linear.gather [hbm4b:s6+s2], $0x80, $0x38;
	[tilespmem:$0x880] =	vst v63  }
0x5c: {  	s6 =	sshll.u32 s20, $0x4  }
0x5d: {  	s6 =	sand.u32 $0x1FFFFFF0, s6  }
0x5e: {  	s21 =	simm.s32 $0x680;
	s22 =	spop (v2sf);
	s6 =	sadd.s32 s5, s6  }
0x5f: {  	[tilespmem:s21], [sflag:$0x2] =	stream.linear.gather [hbm4b:s6+s2], $0x80, $0x38;
	[tilespmem:$0x880] =	vst v63  }
0x60: {  	s6 =	sshll.u32 s22, $0x4  }
0x61: {  	s6 =	sand.u32 $0x1FFFFFF0, s6  }
0x62: {  	s23 =	simm.s32 $0x700;
	s6 =	sadd.s32 s5, s6;
	s24 =	spop (v2sf)  }
0x63: {  	[tilespmem:s23], [sflag:$0x2] =	stream.linear.gather [hbm4b:s6+s2], $0x80, $0x38;
	[tilespmem:$0x880] =	vst v63  }
0x64: {  	s6 =	sshll.u32 s24, $0x4  }
0x65: {  	s6 =	sand.u32 $0x1FFFFFF0, s6  }
0x66: {  	s25 =	simm.s32 $0x780;
	s6 =	sadd.s32 s5, s6  }
0x67: {  	[tilespmem:s25], [sflag:$0x2] =	stream.linear.gather [hbm4b:s6+s2], $0x80, $0x38;
	[tilespmem:$0x880] =	vst v63  }
0x68: {  	s26 =	spop (v2sf)  }
0x69: {  	s6 =	sshll.u32 s26, $0x4  }
0x6a: {  	s6 =	sand.u32 $0x1FFFFFF0, s6  }
0x6b: {  	s28 =	simm.s32 $0x800;
	s29 =	simm.s32 $0x2;
	s5 =	sadd.s32 s5, s6  }
0x6c: {  	[tilespmem:s28], [sflag:$0x2] =	stream.linear.gather [hbm4b:s5+s2], $0x80, $0x38;
	[tilespmem:$0x880] =	vst v63  }
0x6d: {  	_ =	swait.ge [sflag:s29], $0x80  }
0x6e: {  	[sflag:s29] =	ssyncset.done $0x0  }
0x6f: {  	[sflag:s29] =	ssyncadd.s32 $0xFFFFFF80  }
0x70: {  	_ =	swait.ge [sflag:s29], $0x80  }
0x71: {  	[sflag:s29] =	ssyncset.done $0x0  }
0x72: {  	[sflag:s29] =	ssyncadd.s32 $0xFFFFFF80  }
0x73: {  	_ =	swait.ge [sflag:s29], $0x80  }
0x74: {  	[sflag:s29] =	ssyncset.done $0x0  }
0x75: {  	[sflag:s29] =	ssyncadd.s32 $0xFFFFFF80  }
0x76: {  	_ =	swait.ge [sflag:s29], $0x80  }
0x77: {  	[sflag:s29] =	ssyncset.done $0x0  }
0x78: {  	[sflag:s29] =	ssyncadd.s32 $0xFFFFFF80  }
0x79: {  	_ =	swait.ge [sflag:s29], $0x80  }
0x7a: {  	[sflag:s29] =	ssyncset.done $0x0  }
0x7b: {  	[sflag:s29] =	ssyncadd.s32 $0xFFFFFF80  }
0x7c: {  	_ =	swait.ge [sflag:s29], $0x80  }
0x7d: {  	[sflag:s29] =	ssyncset.done $0x0  }
0x7e: {  	[sflag:s29] =	ssyncadd.s32 $0xFFFFFF80  }
0x7f: {  	_ =	swait.ge [sflag:s29], $0x80  }
0x80: {  	[sflag:s29] =	ssyncset.done $0x0  }
0x81: {  	[sflag:s29] =	ssyncadd.s32 $0xFFFFFF80  }
0x82: {  	_ =	swait.ge [sflag:s29], $0x80  }
0x83: {  	[sflag:s29] =	ssyncset.done $0x0  }
0x84: {  	[sflag:s29] =	ssyncadd.s32 $0xFFFFFF80  }
0x85: {  	_ =	swait.ge [sflag:s29], $0x80  }
0x86: {  	[sflag:s29] =	ssyncset.done $0x0  }
0x87: {  	[sflag:s29] =	ssyncadd.s32 $0xFFFFFF80  }
0x88: {  	_ =	swait.ge [sflag:s29], $0x80  }
0x89: {  	[sflag:s29] =	ssyncset.done $0x0  }
0x8a: {  	[sflag:s29] =	ssyncadd.s32 $0xFFFFFF80  }
0x8b: {  	_ =	swait.ge [sflag:s29], $0x80  }
0x8c: {  	[sflag:s29] =	ssyncset.done $0x0  }
0x8d: {  	[sflag:s29] =	ssyncadd.s32 $0xFFFFFF80  }
0x8e: {  	_ =	swait.ge [sflag:s29], $0x80  }
0x8f: {  	[sflag:s29] =	ssyncset.done $0x0  }
0x90: {  	[sflag:s29] =	ssyncadd.s32 $0xFFFFFF80  }
0x91: {  	_ =	swait.ge [sflag:s29], $0x80  }
0x92: {  	[sflag:s29] =	ssyncset.done $0x0  }
0x93: {  	[sflag:s29] =	ssyncadd.s32 $0xFFFFFF80  }
0x94: {  	_ =	swait.ge [sflag:s29], $0x80  }
0x95: {  	[sflag:s29] =	ssyncset.done $0x0  }
0x96: {  	[sflag:s29] =	ssyncadd.s32 $0xFFFFFF80  }
0x97: {  	_ =	swait.ge [sflag:s29], $0x80  }
0x98: {  	[sflag:s29] =	ssyncset.done $0x0  }
0x99: {  	[sflag:s29] =	ssyncadd.s32 $0xFFFFFF80  }
0x9a: {  	s30 =	sshll.u32 s1, $0x8;
	_ =	swait.ge [sflag:s29], $0x80  }
0x9b: {  	s3 =	sadd.s32 s30, s3;
	[sflag:s29] =	ssyncset.done $0x0  }
0x9c: {  	s3 =	sadd.s32 $0x186E00, s3;
	s31 =	simm.s32 $0x3;
	[sflag:s29] =	ssyncadd.s32 $0xFFFFFF80  }
0x9d: {  	[hbm4b:s3+s2] =	stream.linear.scatter [tilespmem:s4], [sflag:$0x3], $0x800, $0x38;
	[tilespmem:$0x880] =	vst v63  }
0x9e: {  	_ =	swait.ge [sflag:s31], $0x800  }
0x9f: {  	[sflag:s31] =	ssyncset.done $0x0  }
0xa0: {  	[sflag:s31] =	ssyncadd.s32 $0xFFFFF800  }
0xa1: {  	_ =	sfence.sel $0x180000  }
0xa2: {  	[bflag:$0x0] =	sbarrier.arrive $0xFFFF  }
0xa3: {  	p0 =	sne.s32 s1, $0x0;
	_ =	strace $0x90000047  }
0xa4: {  	s0 =	sadd.s32 @!p0 $0x100000, s0;
	[bflag:$0x2] =	sbarrier.arrive $0xFFFF  }
0xa5: {  	[sflag:s0] =	ssyncadd.tile.s32 @!p0 $0x1;
	_ =	shalt  }
.Lfunc_end2:
_tile_overlayer_lowered:
.L_overlay_start_2:
0xa6: {  	(tag) =	ssettag $0x2  }
0xa7: {  	s0 =	rddreg [dreg:$0x0];
	s2 =	stileid.u32  }
0xa8: {  	s1 =	rddreg [dreg:$0x1];
	p0 =	sne.s32 s2, $0x0  }
0xa9: {  	s3 =	rddreg [dreg:$0x2];
	[bflag:$0x3] =	sbarrier.arrive $0xFFFF;
	s2 =	simm.s32 @!p0 $0x1C03  }
0xaa: {  	[timem:s3], [sflag:s2] =	dma.local @!p0 [hbm:s0], s1  }
0xab: {  	s0 =	simm.s32 @!p0 $0x3  }
0xac: {  	_ =	swait.ge @!p0 [sflag:s0], s1  }
0xad: {  	s1 =	ssub.s32 @!p0 $0x0, s1;
	[sflag:s0] =	ssyncset.done @!p0 $0x0  }
0xae: {  	[sflag:s0] =	ssyncadd.s32 @!p0 s1  }
0xaf: {  	[bflag:$0x3] =	sbarrier.arrive $0xFFFF  }
0xb0: {  	_ =	shalt  }

</sc_bundles>
